<compile_context>
chip_gen: v7x
topology: tpu7x:2x2x1
jax: 0.10.2.dev20260603
libtpu: 0.0.44.dev20260713+nightly
codegen_flags: <defaults>
</compile_context>

<pallas_src>
import jax
import jax.numpy as jnp
from jax import lax
from jax.experimental import pallas as pl
from jax.experimental.pallas import tpu as pltpu
from jax.experimental.pallas import tpu_sc as plsc

N_TOK = 32768
D = 512
SEG_LEN = 2048
N_SEG = N_TOK // SEG_LEN
K_SC = 4
N_SEG_TC = N_SEG - K_SC
NC = 2
NS = 16
L = 16
NW = NC * NS
ROWS_PER_W = K_SC * SEG_LEN // NW
G = SEG_LEN // ROWS_PER_W
BLK = 64
NBLK = ROWS_PER_W // BLK
NG = D // L


def _sc_body(x_hbm, out_hbm, buf, cs_ref, peer_ref, tot_ref, sq_ref, out_v,
             shared, sem0, sem1):
    c = lax.axis_index("c")
    s = lax.axis_index("s")
    wid = c * NS + s
    base = wid * ROWS_PER_W
    sems = (sem0, sem1)

    zero = jnp.zeros((L,), jnp.float32)

    @pl.loop(0, NG)
    def _zero(j):
        cs_ref[pl.ds(j * L, L)] = zero

    sq_ref[:] = zero

    for b in range(2):
        pltpu.async_copy(x_hbm.at[pl.ds(base + b * BLK, BLK)], buf.at[b],
                         sems[b])

    @pl.loop(0, NBLK // 2)
    def _blocks(g2):
        for b in range(2):
            g = g2 * 2 + b
            pltpu.make_async_copy(x_hbm.at[pl.ds(0, BLK)], buf.at[b],
                                  sems[b]).wait()
            blk = buf.at[b]

            @pl.loop(0, NG)
            def _grp(j, blk=blk):
                jo = j * L
                def body(t8, carry, blk=blk, jo=jo):
                    a = list(carry[:4])
                    q = list(carry[4:])
                    for u in range(8):
                        v = blk[t8 * 8 + u, pl.ds(jo, L)]
                        a[u % 4] = a[u % 4] + v
                        q[u % 4] = q[u % 4] + v * v
                    return tuple(a) + tuple(q)
                r = lax.fori_loop(0, BLK // 8, body, (zero,) * 8)
                acc = (r[0] + r[1]) + (r[2] + r[3])
                sq = (r[4] + r[5]) + (r[6] + r[7])
                cs_ref[pl.ds(jo, L)] = cs_ref[pl.ds(jo, L)] + acc
                sq_ref[:] = sq_ref[:] + sq
            @pl.when(g + 2 < NBLK)
            def _refill():
                row = base + (g + 2) * BLK
                pltpu.async_copy(x_hbm.at[pl.ds(row, BLK)], buf.at[b],
                                 sems[b])

    pltpu.sync_copy(cs_ref, shared.at[s])
    plsc.subcore_barrier()
    sbase = (s // G) * G
    pltpu.sync_copy(shared.at[sbase], tot_ref)
    for m in range(1, G):
        pltpu.sync_copy(shared.at[sbase + m], peer_ref)

        @pl.loop(0, NG)
        def _tot(j):
            jo = j * L
            tot_ref[pl.ds(jo, L)] = tot_ref[pl.ds(jo, L)] + peer_ref[pl.ds(jo, L)]

    def cross(j, t_acc):
        jo = j * L
        return t_acc + cs_ref[pl.ds(jo, L)] * tot_ref[pl.ds(jo, L)]
    t_acc = lax.fori_loop(0, NG, cross, zero)
    out_v[:] = sq_ref[:] - t_acc * (1.0 / SEG_LEN)
    pltpu.sync_copy(out_v, out_hbm.at[wid])


_sc_part = pl.kernel(
    _sc_body,
    out_type=jax.ShapeDtypeStruct((NW, L), jnp.float32),
    mesh=plsc.VectorSubcoreMesh(core_axis_name="c", subcore_axis_name="s",
                                num_cores=NC, num_subcores=NS),
    scratch_types=[
        pltpu.VMEM((2, BLK, D), jnp.float32),
        pltpu.VMEM((D,), jnp.float32),
        pltpu.VMEM((D,), jnp.float32),
        pltpu.VMEM((D,), jnp.float32),
        pltpu.VMEM((L,), jnp.float32),
        pltpu.VMEM((L,), jnp.float32),
        pltpu.VMEM_SHARED((NS, D), jnp.float32),
        pltpu.SemaphoreType.DMA,
        pltpu.SemaphoreType.DMA,
    ],
)


def _tc_body(x_ref, out_ref, sqv_ref, csq_ref):
    i = pl.program_id(0)
    x = x_ref[...]
    cs = jnp.sum(x, axis=0, keepdims=True)
    sqb = jnp.sum(x * x, axis=0, keepdims=True)

    @pl.when(i == 0)
    def _init():
        sqv_ref[...] = sqb
        csq_ref[...] = cs * cs

    @pl.when(i != 0)
    def _acc():
        sqv_ref[...] += sqb
        csq_ref[...] += cs * cs

    @pl.when(i == N_SEG_TC - 1)
    def _fold():
        out_ref[...] = jnp.full(
            (1, 128),
            jnp.sum(sqv_ref[...] - csq_ref[...] * (1.0 / SEG_LEN)),
            jnp.float32)


_tc_part = pl.pallas_call(
    _tc_body,
    grid=(N_SEG_TC,),
    in_specs=[pl.BlockSpec((SEG_LEN, D), lambda i: (i + K_SC, 0))],
    out_specs=pl.BlockSpec((1, 128), lambda i: (0, 0)),
    out_shape=jax.ShapeDtypeStruct((1, 128), jnp.float32),
    scratch_shapes=[pltpu.VMEM((1, D), jnp.float32),
                    pltpu.VMEM((1, D), jnp.float32)],
)


def kernel(inputs, lengths):
    del lengths
    tc = _tc_part(inputs)
    sc = _sc_part(inputs)
    return (jnp.sum(sc) + tc[0, 0]) / (N_TOK * D)

# --- scband reference (transcript-rebuilt; emitter-appended) ---
"""Pipeline reference for scband-mid-loss-43181601194360 (READ-ONLY COPY).

The authoritative reference and input builder live on the scoring server;
editing this copy changes nothing except your own understanding.
"""

import jax, jax.numpy as jnp
import numpy as np

TOTAL_TOKENS = 32768
D = 512
SEG_LEN = 2048

def setup_inputs(seed: int = 0) -> dict:
    key = jax.random.key(seed)
    inputs = jax.random.normal(key, (TOTAL_TOKENS, D), dtype=jnp.float32)
    lengths = SEG_LEN  # scalar int: equal-size segments, matches torch.split(inputs, int)
    return {"inputs": inputs, "lengths": lengths}

def reference(inputs, lengths):
    # torch.split(inputs, lengths) with scalar int lengths -> equal chunks of size `lengths`
    n_seg = inputs.shape[0] // SEG_LEN
    seqs = inputs.reshape(n_seg, SEG_LEN, inputs.shape[1])
    # per-segment mean over the token axis
    means = jnp.mean(seqs, axis=1)  # [n_seg, D]
    # torch.repeat_interleave(means, repeats=lengths, dim=0)
    means_rep = jnp.repeat(means, lengths, axis=0, total_repeat_length=inputs.shape[0])  # [TOTAL_TOKENS, D]
    # nn.MSELoss() (mean reduction), then .mean() is a no-op on a scalar
    loss = jnp.mean((means_rep - inputs) ** 2)
    return loss

if __name__ == "__main__":
    import jax
    _d = setup_inputs()
    print(jax.jit(kernel)(*tuple(_d.values())))

</pallas_src>

<mosaic_0001>
#map = affine_map<(d0, d1) -> (0, 0)>
module attributes {stable_mosaic.version = 14 : i64} {
  func.func @_sc_body(%arg0: i32, %arg1: i32, %arg2: memref<32768x512xf32, #tpu.memory_space<hbm>>, %arg3: memref<32x16xf32, #tpu.memory_space<hbm>>, %arg4: memref<2x64x512xf32, #tpu.memory_space<vmem>>, %arg5: memref<512xf32, #tpu.memory_space<vmem>>, %arg6: memref<512xf32, #tpu.memory_space<vmem>>, %arg7: memref<512xf32, #tpu.memory_space<vmem>>, %arg8: memref<16xf32, #tpu.memory_space<vmem>>, %arg9: memref<16xf32, #tpu.memory_space<vmem>>, %arg10: memref<16x512xf32, #tpu.memory_space<vmem_shared>>, %arg11: memref<!tpu.dma_semaphore, #tpu.memory_space<semaphore_mem>>, %arg12: memref<!tpu.dma_semaphore, #tpu.memory_space<semaphore_mem>>) attributes {dimension_semantics = [#tpu.dimension_semantics<core_parallel>, #tpu.dimension_semantics<subcore_parallel>], iteration_bounds = array<i64: 2, 16>, scalar_prefetch = 0 : i64, scratch_operands = 9 : i64, tpu.core_type = #tpu.core_type<sc_vector_subcore>, window_params = [{transform_indices = #map}, {transform_indices = #map}]} {
    %mul3A = arith.constant 16 : i32
    %mul3A_0 = arith.muli %arg0, %mul3A : i32
    %add3A = arith.addi %mul3A_0, %arg1 : i32
    %mul3A_1 = arith.constant 256 : i32
    %mul3A_2 = arith.muli %add3A, %mul3A_1 : i32
    %broadcast_in_dim3A = arith.constant 0.000000e+00 : f32
    %broadcast_in_dim3A_3 = vector.broadcast %broadcast_in_dim3A : f32 to vector<16xf32>
    %scan3A = arith.constant 0 : i32
    %scan3A_4 = arith.constant 32 : i32
    %scan3A_5 = arith.addi %scan3A, %scan3A_4 : i32
    %scan3A_6 = arith.constant 1 : i32
    scf.for %scan3A_128 = %scan3A to %scan3A_5 step %scan3A_6  : i32 {
      %mul3A_129 = arith.constant 1 : i32
      %mul3A_130 = arith.muli %scan3A_128, %mul3A_129 : i32
      %add3A_131 = arith.constant 0 : i32
      %add3A_132 = arith.addi %add3A_131, %mul3A_130 : i32
      %mul3A_133 = arith.constant 16 : i32
      %mul3A_134 = arith.muli %add3A_132, %mul3A_133 : i32
      %swap3A_135 = arith.index_cast %mul3A_134 : i32 to index
      %swap3A_136 = tpu.vector_load %arg5[%swap3A_135] {strides = array<i32>} : memref<512xf32, #tpu.memory_space<vmem>>, vector<16xf32>,
      %swap3A_137 = vector.shape_cast %swap3A_136 : vector<16xf32> to vector<16xf32>
      %swap3A_138 = vector.shape_cast %broadcast_in_dim3A_3 : vector<16xf32> to vector<16xf32>
      tpu.vector_store %arg5[%swap3A_135], %swap3A_138 {strides = array<i32>} : memref<512xf32, #tpu.memory_space<vmem>>, vector<16xf32>,
    }
    %scan3A_7 = arith.constant 32 : i32
    %swap3A = arith.constant 0 : index
    %swap3A_8 = tpu.vector_load %arg8[%swap3A] {strides = array<i32>} : memref<16xf32, #tpu.memory_space<vmem>>, vector<16xf32>,
    %swap3A_9 = vector.shape_cast %swap3A_8 : vector<16xf32> to vector<16xf32>
    %swap3A_10 = vector.shape_cast %broadcast_in_dim3A_3 : vector<16xf32> to vector<16xf32>
    tpu.vector_store %arg8[%swap3A], %swap3A_10 {strides = array<i32>} : memref<16xf32, #tpu.memory_space<vmem>>, vector<16xf32>,
    %add3A_11 = arith.constant 0 : i32
    %add3A_12 = arith.addi %mul3A_2, %add3A_11 : i32
    %dma_start3A = arith.constant 0 : i32
    %dma_start3A_13 = arith.constant 0 : i32
    %dma_start3A_14 = arith.constant 0 : i32
    %dma_start3A_15 = tpu.memref_slice %arg4[%dma_start3A, %dma_start3A_13, %dma_start3A_14] : memref<2x64x512xf32, #tpu.memory_space<vmem>> -> memref<1x64x512xf32, #tpu.memory_space<vmem>>
    %dma_start3A_16 = tpu.memref_squeeze %dma_start3A_15 : memref<1x64x512xf32, #tpu.memory_space<vmem>> -> memref<64x512xf32, #tpu.memory_space<vmem>>
    %dma_start3A_17 = arith.constant 0 : i32
    %dma_start3A_18 = tpu.memref_slice %arg2[%add3A_12, %dma_start3A_17] : memref<32768x512xf32, #tpu.memory_space<hbm>> -> memref<64x512xf32, #tpu.memory_space<hbm>>
    %dma_start3A_19 = arith.constant 0 : i32
    %dma_start3A_20 = arith.constant 0 : i32
    %dma_start3A_21 = tpu.memref_slice %arg4[%dma_start3A, %dma_start3A_19, %dma_start3A_20] : memref<2x64x512xf32, #tpu.memory_space<vmem>> -> memref<1x64x512xf32, #tpu.memory_space<vmem>>
    %dma_start3A_22 = tpu.memref_squeeze %dma_start3A_21 : memref<1x64x512xf32, #tpu.memory_space<vmem>> -> memref<64x512xf32, #tpu.memory_space<vmem>>
    %dma_start3A_23 = arith.constant 0 : i32
    %dma_start3A_24 = tpu.memref_slice %arg2[%add3A_12, %dma_start3A_23] : memref<32768x512xf32, #tpu.memory_space<hbm>> -> memref<64x512xf32, #tpu.memory_space<hbm>>
    tpu.enqueue_dma source(%dma_start3A_24 : memref<64x512xf32, #tpu.memory_space<hbm>>) target(%dma_start3A_22 : memref<64x512xf32, #tpu.memory_space<vmem>>) target_semaphore(%arg11 : memref<!tpu.dma_semaphore, #tpu.memory_space<semaphore_mem>>)
    %add3A_25 = arith.constant 64 : i32
    %add3A_26 = arith.addi %mul3A_2, %add3A_25 : i32
    %dma_start3A_27 = arith.constant 1 : i32
    %dma_start3A_28 = arith.constant 0 : i32
    %dma_start3A_29 = arith.constant 0 : i32
    %dma_start3A_30 = tpu.memref_slice %arg4[%dma_start3A_27, %dma_start3A_28, %dma_start3A_29] : memref<2x64x512xf32, #tpu.memory_space<vmem>> -> memref<1x64x512xf32, #tpu.memory_space<vmem>>
    %dma_start3A_31 = tpu.memref_squeeze %dma_start3A_30 : memref<1x64x512xf32, #tpu.memory_space<vmem>> -> memref<64x512xf32, #tpu.memory_space<vmem>>
    %dma_start3A_32 = arith.constant 0 : i32
    %dma_start3A_33 = tpu.memref_slice %arg2[%add3A_26, %dma_start3A_32] : memref<32768x512xf32, #tpu.memory_space<hbm>> -> memref<64x512xf32, #tpu.memory_space<hbm>>
    %dma_start3A_34 = arith.constant 0 : i32
    %dma_start3A_35 = arith.constant 0 : i32
    %dma_start3A_36 = tpu.memref_slice %arg4[%dma_start3A_27, %dma_start3A_34, %dma_start3A_35] : memref<2x64x512xf32, #tpu.memory_space<vmem>> -> memref<1x64x512xf32, #tpu.memory_space<vmem>>
    %dma_start3A_37 = tpu.memref_squeeze %dma_start3A_36 : memref<1x64x512xf32, #tpu.memory_space<vmem>> -> memref<64x512xf32, #tpu.memory_space<vmem>>
    %dma_start3A_38 = arith.constant 0 : i32
    %dma_start3A_39 = tpu.memref_slice %arg2[%add3A_26, %dma_start3A_38] : memref<32768x512xf32, #tpu.memory_space<hbm>> -> memref<64x512xf32, #tpu.memory_space<hbm>>
    tpu.enqueue_dma source(%dma_start3A_39 : memref<64x512xf32, #tpu.memory_space<hbm>>) target(%dma_start3A_37 : memref<64x512xf32, #tpu.memory_space<vmem>>) target_semaphore(%arg12 : memref<!tpu.dma_semaphore, #tpu.memory_space<semaphore_mem>>)
    %scan3A_40 = arith.constant 0 : i32
    %scan3A_41 = arith.constant 2 : i32
    %scan3A_42 = arith.addi %scan3A_40, %scan3A_41 : i32
    %scan3A_43 = arith.constant 1 : i32
    scf.for %scan3A_128 = %scan3A_40 to %scan3A_42 step %scan3A_43  : i32 {
      %mul3A_129 = arith.constant 1 : i32
      %mul3A_130 = arith.muli %scan3A_128, %mul3A_129 : i32
      %add3A_131 = arith.constant 0 : i32
      %add3A_132 = arith.addi %add3A_131, %mul3A_130 : i32
      %mul3A_133 = arith.constant 2 : i32
      %mul3A_134 = arith.muli %add3A_132, %mul3A_133 : i32
      %add3A_135 = arith.constant 0 : i32
      %add3A_136 = arith.addi %mul3A_134, %add3A_135 : i32
      %dma_wait3A = arith.constant 0 : i32
      %dma_wait3A_137 = arith.constant 0 : i32
      %dma_wait3A_138 = arith.constant 0 : i32
      %dma_wait3A_139 = tpu.memref_slice %arg4[%dma_wait3A, %dma_wait3A_137, %dma_wait3A_138] : memref<2x64x512xf32, #tpu.memory_space<vmem>> -> memref<1x64x512xf32, #tpu.memory_space<vmem>>
      %dma_wait3A_140 = tpu.memref_squeeze %dma_wait3A_139 : memref<1x64x512xf32, #tpu.memory_space<vmem>> -> memref<64x512xf32, #tpu.memory_space<vmem>>
      %dma_wait3A_141 = arith.constant 0 : i32
      %dma_wait3A_142 = arith.constant 0 : i32
      %dma_wait3A_143 = tpu.memref_slice %arg2[%dma_wait3A_141, %dma_wait3A_142] : memref<32768x512xf32, #tpu.memory_space<hbm>> -> memref<64x512xf32, #tpu.memory_space<hbm>>
      %dma_wait3A_144 = arith.constant 0 : i32
      %dma_wait3A_145 = arith.constant 0 : i32
      %dma_wait3A_146 = tpu.memref_slice %arg4[%dma_wait3A, %dma_wait3A_144, %dma_wait3A_145] : memref<2x64x512xf32, #tpu.memory_space<vmem>> -> memref<1x64x512xf32, #tpu.memory_space<vmem>>
      %dma_wait3A_147 = tpu.memref_squeeze %dma_wait3A_146 : memref<1x64x512xf32, #tpu.memory_space<vmem>> -> memref<64x512xf32, #tpu.memory_space<vmem>>
      %dma_wait3A_148 = arith.constant 0 : i32
      %dma_wait3A_149 = arith.constant 0 : i32
      %dma_wait3A_150 = tpu.memref_slice %arg2[%dma_wait3A_148, %dma_wait3A_149] : memref<32768x512xf32, #tpu.memory_space<hbm>> -> memref<64x512xf32, #tpu.memory_space<hbm>>
      tpu.wait_dma2 semaphore(%arg11 : memref<!tpu.dma_semaphore, #tpu.memory_space<semaphore_mem>>) src(%dma_wait3A_150 : memref<64x512xf32, #tpu.memory_space<hbm>>) dst(%dma_wait3A_147 : memref<64x512xf32, #tpu.memory_space<vmem>>)
      %scan3A_151 = arith.constant 0 : i32
      %scan3A_152 = arith.constant 0 : i32
      %scan3A_153 = arith.constant 32 : i32
      %scan3A_154 = arith.addi %scan3A_152, %scan3A_153 : i32
      %scan3A_155 = arith.constant 1 : i32
      scf.for %scan3A_193 = %scan3A_152 to %scan3A_154 step %scan3A_155  : i32 {
        %mul3A_194 = arith.constant 1 : i32
        %mul3A_195 = arith.muli %scan3A_193, %mul3A_194 : i32
        %add3A_196 = arith.constant 0 : i32
        %add3A_197 = arith.addi %add3A_196, %mul3A_195 : i32
        %mul3A_198 = arith.constant 16 : i32
        %mul3A_199 = arith.muli %add3A_197, %mul3A_198 : i32
        %scan3A_200 = arith.constant 0 : i32
        %scan3A_201 = arith.constant 8 : i32
        %scan3A_202 = arith.addi %scan3A_200, %scan3A_201 : i32
        %scan3A_203 = arith.constant 1 : i32
        %scan3A_204:8 = scf.for %scan3A_228 = %scan3A_200 to %scan3A_202 step %scan3A_203 iter_args(%scan3A_229 = %broadcast_in_dim3A_3, %scan3A_230 = %broadcast_in_dim3A_3, %scan3A_231 = %broadcast_in_dim3A_3, %scan3A_232 = %broadcast_in_dim3A_3, %scan3A_233 = %broadcast_in_dim3A_3, %scan3A_234 = %broadcast_in_dim3A_3, %scan3A_235 = %broadcast_in_dim3A_3, %scan3A_236 = %broadcast_in_dim3A_3) -> (vector<16xf32>, vector<16xf32>, vector<16xf32>, vector<16xf32>, vector<16xf32>, vector<16xf32>, vector<16xf32>, vector<16xf32>)  : i32 {
          %mul3A_237 = arith.constant 8 : i32
          %mul3A_238 = arith.muli %scan3A_228, %mul3A_237 : i32
          %add3A_239 = arith.constant 0 : i32
          %add3A_240 = arith.addi %mul3A_238, %add3A_239 : i32
          %get3A_241 = arith.constant 0 : i32
          %get3A_242 = arith.constant 0 : i32
          %get3A_243 = tpu.memref_slice %arg4[%scan3A_151, %get3A_241, %get3A_242] : memref<2x64x512xf32, #tpu.memory_space<vmem>> -> memref<1x64x512xf32, #tpu.memory_space<vmem>>
          %get3A_244 = tpu.memref_squeeze %get3A_243 : memref<1x64x512xf32, #tpu.memory_space<vmem>> -> memref<64x512xf32, #tpu.memory_space<vmem>>
          %get3A_245 = arith.index_cast %add3A_240 : i32 to index
          %get3A_246 = arith.index_cast %mul3A_199 : i32 to index
          %get3A_247 = tpu.vector_load %get3A_244[%get3A_245, %get3A_246] {strides = array<i32>} : memref<64x512xf32, #tpu.memory_space<vmem>>, vector<1x16xf32>,
          %get3A_248 = vector.shape_cast %get3A_247 : vector<1x16xf32> to vector<16xf32>
          %add3A_249 = arith.addf %scan3A_229, %get3A_248 : vector<16xf32>
          %mul3A_250 = arith.mulf %get3A_248, %get3A_248 : vector<16xf32>
          %add3A_251 = arith.addf %scan3A_233, %mul3A_250 : vector<16xf32>
          %mul3A_252 = arith.constant 8 : i32
          %mul3A_253 = arith.muli %scan3A_228, %mul3A_252 : i32
          %add3A_254 = arith.constant 1 : i32
          %add3A_255 = arith.addi %mul3A_253, %add3A_254 : i32
          %get3A_256 = arith.constant 0 : i32
          %get3A_257 = arith.constant 0 : i32
          %get3A_258 = tpu.memref_slice %arg4[%scan3A_151, %get3A_256, %get3A_257] : memref<2x64x512xf32, #tpu.memory_space<vmem>> -> memref<1x64x512xf32, #tpu.memory_space<vmem>>
          %get3A_259 = tpu.memref_squeeze %get3A_258 : memref<1x64x512xf32, #tpu.memory_space<vmem>> -> memref<64x512xf32, #tpu.memory_space<vmem>>
          %get3A_260 = arith.index_cast %add3A_255 : i32 to index
          %get3A_261 = arith.index_cast %mul3A_199 : i32 to index
          %get3A_262 = tpu.vector_load %get3A_259[%get3A_260, %get3A_261] {strides = array<i32>} : memref<64x512xf32, #tpu.memory_space<vmem>>, vector<1x16xf32>,
          %get3A_263 = vector.shape_cast %get3A_262 : vector<1x16xf32> to vector<16xf32>
          %add3A_264 = arith.addf %scan3A_230, %get3A_263 : vector<16xf32>
          %mul3A_265 = arith.mulf %get3A_263, %get3A_263 : vector<16xf32>
          %add3A_266 = arith.addf %scan3A_234, %mul3A_265 : vector<16xf32>
          %mul3A_267 = arith.constant 8 : i32
          %mul3A_268 = arith.muli %scan3A_228, %mul3A_267 : i32
          %add3A_269 = arith.constant 2 : i32
          %add3A_270 = arith.addi %mul3A_268, %add3A_269 : i32
          %get3A_271 = arith.constant 0 : i32
          %get3A_272 = arith.constant 0 : i32
          %get3A_273 = tpu.memref_slice %arg4[%scan3A_151, %get3A_271, %get3A_272] : memref<2x64x512xf32, #tpu.memory_space<vmem>> -> memref<1x64x512xf32, #tpu.memory_space<vmem>>
          %get3A_274 = tpu.memref_squeeze %get3A_273 : memref<1x64x512xf32, #tpu.memory_space<vmem>> -> memref<64x512xf32, #tpu.memory_space<vmem>>
          %get3A_275 = arith.index_cast %add3A_270 : i32 to index
          %get3A_276 = arith.index_cast %mul3A_199 : i32 to index
          %get3A_277 = tpu.vector_load %get3A_274[%get3A_275, %get3A_276] {strides = array<i32>} : memref<64x512xf32, #tpu.memory_space<vmem>>, vector<1x16xf32>,
          %get3A_278 = vector.shape_cast %get3A_277 : vector<1x16xf32> to vector<16xf32>
          %add3A_279 = arith.addf %scan3A_231, %get3A_278 : vector<16xf32>
          %mul3A_280 = arith.mulf %get3A_278, %get3A_278 : vector<16xf32>
          %add3A_281 = arith.addf %scan3A_235, %mul3A_280 : vector<16xf32>
          %mul3A_282 = arith.constant 8 : i32
          %mul3A_283 = arith.muli %scan3A_228, %mul3A_282 : i32
          %add3A_284 = arith.constant 3 : i32
          %add3A_285 = arith.addi %mul3A_283, %add3A_284 : i32
          %get3A_286 = arith.constant 0 : i32
          %get3A_287 = arith.constant 0 : i32
          %get3A_288 = tpu.memref_slice %arg4[%scan3A_151, %get3A_286, %get3A_287] : memref<2x64x512xf32, #tpu.memory_space<vmem>> -> memref<1x64x512xf32, #tpu.memory_space<vmem>>
          %get3A_289 = tpu.memref_squeeze %get3A_288 : memref<1x64x512xf32, #tpu.memory_space<vmem>> -> memref<64x512xf32, #tpu.memory_space<vmem>>
          %get3A_290 = arith.index_cast %add3A_285 : i32 to index
          %get3A_291 = arith.index_cast %mul3A_199 : i32 to index
          %get3A_292 = tpu.vector_load %get3A_289[%get3A_290, %get3A_291] {strides = array<i32>} : memref<64x512xf32, #tpu.memory_space<vmem>>, vector<1x16xf32>,
          %get3A_293 = vector.shape_cast %get3A_292 : vector<1x16xf32> to vector<16xf32>
          %add3A_294 = arith.addf %scan3A_232, %get3A_293 : vector<16xf32>
          %mul3A_295 = arith.mulf %get3A_293, %get3A_293 : vector<16xf32>
          %add3A_296 = arith.addf %scan3A_236, %mul3A_295 : vector<16xf32>
          %mul3A_297 = arith.constant 8 : i32
          %mul3A_298 = arith.muli %scan3A_228, %mul3A_297 : i32
          %add3A_299 = arith.constant 4 : i32
          %add3A_300 = arith.addi %mul3A_298, %add3A_299 : i32
          %get3A_301 = arith.constant 0 : i32
          %get3A_302 = arith.constant 0 : i32
          %get3A_303 = tpu.memref_slice %arg4[%scan3A_151, %get3A_301, %get3A_302] : memref<2x64x512xf32, #tpu.memory_space<vmem>> -> memref<1x64x512xf32, #tpu.memory_space<vmem>>
          %get3A_304 = tpu.memref_squeeze %get3A_303 : memref<1x64x512xf32, #tpu.memory_space<vmem>> -> memref<64x512xf32, #tpu.memory_space<vmem>>
          %get3A_305 = arith.index_cast %add3A_300 : i32 to index
          %get3A_306 = arith.index_cast %mul3A_199 : i32 to index
          %get3A_307 = tpu.vector_load %get3A_304[%get3A_305, %get3A_306] {strides = array<i32>} : memref<64x512xf32, #tpu.memory_space<vmem>>, vector<1x16xf32>,
          %get3A_308 = vector.shape_cast %get3A_307 : vector<1x16xf32> to vector<16xf32>
          %add3A_309 = arith.addf %add3A_249, %get3A_308 : vector<16xf32>
          %mul3A_310 = arith.mulf %get3A_308, %get3A_308 : vector<16xf32>
          %add3A_311 = arith.addf %add3A_251, %mul3A_310 : vector<16xf32>
          %mul3A_312 = arith.constant 8 : i32
          %mul3A_313 = arith.muli %scan3A_228, %mul3A_312 : i32
          %add3A_314 = arith.constant 5 : i32
          %add3A_315 = arith.addi %mul3A_313, %add3A_314 : i32
          %get3A_316 = arith.constant 0 : i32
          %get3A_317 = arith.constant 0 : i32
          %get3A_318 = tpu.memref_slice %arg4[%scan3A_151, %get3A_316, %get3A_317] : memref<2x64x512xf32, #tpu.memory_space<vmem>> -> memref<1x64x512xf32, #tpu.memory_space<vmem>>
          %get3A_319 = tpu.memref_squeeze %get3A_318 : memref<1x64x512xf32, #tpu.memory_space<vmem>> -> memref<64x512xf32, #tpu.memory_space<vmem>>
          %get3A_320 = arith.index_cast %add3A_315 : i32 to index
          %get3A_321 = arith.index_cast %mul3A_199 : i32 to index
          %get3A_322 = tpu.vector_load %get3A_319[%get3A_320, %get3A_321] {strides = array<i32>} : memref<64x512xf32, #tpu.memory_space<vmem>>, vector<1x16xf32>,
          %get3A_323 = vector.shape_cast %get3A_322 : vector<1x16xf32> to vector<16xf32>
          %add3A_324 = arith.addf %add3A_264, %get3A_323 : vector<16xf32>
          %mul3A_325 = arith.mulf %get3A_323, %get3A_323 : vector<16xf32>
          %add3A_326 = arith.addf %add3A_266, %mul3A_325 : vector<16xf32>
          %mul3A_327 = arith.constant 8 : i32
          %mul3A_328 = arith.muli %scan3A_228, %mul3A_327 : i32
          %add3A_329 = arith.constant 6 : i32
          %add3A_330 = arith.addi %mul3A_328, %add3A_329 : i32
          %get3A_331 = arith.constant 0 : i32
          %get3A_332 = arith.constant 0 : i32
          %get3A_333 = tpu.memref_slice %arg4[%scan3A_151, %get3A_331, %get3A_332] : memref<2x64x512xf32, #tpu.memory_space<vmem>> -> memref<1x64x512xf32, #tpu.memory_space<vmem>>
          %get3A_334 = tpu.memref_squeeze %get3A_333 : memref<1x64x512xf32, #tpu.memory_space<vmem>> -> memref<64x512xf32, #tpu.memory_space<vmem>>
          %get3A_335 = arith.index_cast %add3A_330 : i32 to index
          %get3A_336 = arith.index_cast %mul3A_199 : i32 to index
          %get3A_337 = tpu.vector_load %get3A_334[%get3A_335, %get3A_336] {strides = array<i32>} : memref<64x512xf32, #tpu.memory_space<vmem>>, vector<1x16xf32>,
          %get3A_338 = vector.shape_cast %get3A_337 : vector<1x16xf32> to vector<16xf32>
          %add3A_339 = arith.addf %add3A_279, %get3A_338 : vector<16xf32>
          %mul3A_340 = arith.mulf %get3A_338, %get3A_338 : vector<16xf32>
          %add3A_341 = arith.addf %add3A_281, %mul3A_340 : vector<16xf32>
          %mul3A_342 = arith.constant 8 : i32
          %mul3A_343 = arith.muli %scan3A_228, %mul3A_342 : i32
          %add3A_344 = arith.constant 7 : i32
          %add3A_345 = arith.addi %mul3A_343, %add3A_344 : i32
          %get3A_346 = arith.constant 0 : i32
          %get3A_347 = arith.constant 0 : i32
          %get3A_348 = tpu.memref_slice %arg4[%scan3A_151, %get3A_346, %get3A_347] : memref<2x64x512xf32, #tpu.memory_space<vmem>> -> memref<1x64x512xf32, #tpu.memory_space<vmem>>
          %get3A_349 = tpu.memref_squeeze %get3A_348 : memref<1x64x512xf32, #tpu.memory_space<vmem>> -> memref<64x512xf32, #tpu.memory_space<vmem>>
          %get3A_350 = arith.index_cast %add3A_345 : i32 to index
          %get3A_351 = arith.index_cast %mul3A_199 : i32 to index
          %get3A_352 = tpu.vector_load %get3A_349[%get3A_350, %get3A_351] {strides = array<i32>} : memref<64x512xf32, #tpu.memory_space<vmem>>, vector<1x16xf32>,
          %get3A_353 = vector.shape_cast %get3A_352 : vector<1x16xf32> to vector<16xf32>
          %add3A_354 = arith.addf %add3A_294, %get3A_353 : vector<16xf32>
          %mul3A_355 = arith.mulf %get3A_353, %get3A_353 : vector<16xf32>
          %add3A_356 = arith.addf %add3A_296, %mul3A_355 : vector<16xf32>
          scf.yield %add3A_309, %add3A_324, %add3A_339, %add3A_354, %add3A_311, %add3A_326, %add3A_341, %add3A_356 : vector<16xf32>, vector<16xf32>, vector<16xf32>, vector<16xf32>, vector<16xf32>, vector<16xf32>, vector<16xf32>, vector<16xf32>
        }
        %scan3A_205 = arith.constant 8 : i32
        %add3A_206 = arith.addf %scan3A_204#0, %scan3A_204#1 : vector<16xf32>
        %add3A_207 = arith.addf %scan3A_204#2, %scan3A_204#3 : vector<16xf32>
        %add3A_208 = arith.addf %add3A_206, %add3A_207 : vector<16xf32>
        %add3A_209 = arith.addf %scan3A_204#4, %scan3A_204#5 : vector<16xf32>
        %add3A_210 = arith.addf %scan3A_204#6, %scan3A_204#7 : vector<16xf32>
        %add3A_211 = arith.addf %add3A_209, %add3A_210 : vector<16xf32>
        %get3A_212 = arith.index_cast %mul3A_199 : i32 to index
        %get3A_213 = tpu.vector_load %arg5[%get3A_212] {strides = array<i32>} : memref<512xf32, #tpu.memory_space<vmem>>, vector<16xf32>,
        %get3A_214 = vector.shape_cast %get3A_213 : vector<16xf32> to vector<16xf32>
        %add3A_215 = arith.addf %get3A_214, %add3A_208 : vector<16xf32>
        %swap3A_216 = arith.index_cast %mul3A_199 : i32 to index
        %swap3A_217 = tpu.vector_load %arg5[%swap3A_216] {strides = array<i32>} : memref<512xf32, #tpu.memory_space<vmem>>, vector<16xf32>,
        %swap3A_218 = vector.shape_cast %swap3A_217 : vector<16xf32> to vector<16xf32>
        %swap3A_219 = vector.shape_cast %add3A_215 : vector<16xf32> to vector<16xf32>
        tpu.vector_store %arg5[%swap3A_216], %swap3A_219 {strides = array<i32>} : memref<512xf32, #tpu.memory_space<vmem>>, vector<16xf32>,
        %get3A_220 = arith.constant 0 : index
        %get3A_221 = tpu.vector_load %arg8[%get3A_220] {strides = array<i32>} : memref<16xf32, #tpu.memory_space<vmem>>, vector<16xf32>,
        %get3A_222 = vector.shape_cast %get3A_221 : vector<16xf32> to vector<16xf32>
        %add3A_223 = arith.addf %get3A_222, %add3A_211 : vector<16xf32>
        %swap3A_224 = arith.constant 0 : index
        %swap3A_225 = tpu.vector_load %arg8[%swap3A_224] {strides = array<i32>} : memref<16xf32, #tpu.memory_space<vmem>>, vector<16xf32>,
        %swap3A_226 = vector.shape_cast %swap3A_225 : vector<16xf32> to vector<16xf32>
        %swap3A_227 = vector.shape_cast %add3A_223 : vector<16xf32> to vector<16xf32>
        tpu.vector_store %arg8[%swap3A_224], %swap3A_227 {strides = array<i32>} : memref<16xf32, #tpu.memory_space<vmem>>, vector<16xf32>,
      }
      %scan3A_156 = arith.constant 32 : i32
      %add3A_157 = arith.constant 2 : i32
      %add3A_158 = arith.addi %add3A_136, %add3A_157 : i32
      %lt3A = arith.constant 4 : i32
      %lt3A_159 = arith.cmpi slt, %add3A_158, %lt3A : i32
      %convert_element_type3A = arith.extui %lt3A_159 : i1 to i32
      %cond3A = arith.constant 0 : i32
      %cond3A_160 = arith.cmpi ne, %convert_element_type3A, %cond3A : i32
      scf.if %cond3A_160 {
        %add3A_193 = arith.constant 2 : i32
        %add3A_194 = arith.addi %add3A_136, %add3A_193 : i32
        %mul3A_195 = arith.constant 64 : i32
        %mul3A_196 = arith.muli %add3A_194, %mul3A_195 : i32
        %add3A_197 = arith.addi %mul3A_2, %mul3A_196 : i32
        %dma_start3A_198 = arith.constant 0 : i32
        %dma_start3A_199 = arith.constant 0 : i32
        %dma_start3A_200 = arith.constant 0 : i32
        %dma_start3A_201 = tpu.memref_slice %arg4[%dma_start3A_198, %dma_start3A_199, %dma_start3A_200] : memref<2x64x512xf32, #tpu.memory_space<vmem>> -> memref<1x64x512xf32, #tpu.memory_space<vmem>>
        %dma_start3A_202 = tpu.memref_squeeze %dma_start3A_201 : memref<1x64x512xf32, #tpu.memory_space<vmem>> -> memref<64x512xf32, #tpu.memory_space<vmem>>
        %dma_start3A_203 = arith.constant 0 : i32
        %dma_start3A_204 = tpu.memref_slice %arg2[%add3A_197, %dma_start3A_203] : memref<32768x512xf32, #tpu.memory_space<hbm>> -> memref<64x512xf32, #tpu.memory_space<hbm>>
        %dma_start3A_205 = arith.constant 0 : i32
        %dma_start3A_206 = arith.constant 0 : i32
        %dma_start3A_207 = tpu.memref_slice %arg4[%dma_start3A_198, %dma_start3A_205, %dma_start3A_206] : memref<2x64x512xf32, #tpu.memory_space<vmem>> -> memref<1x64x512xf32, #tpu.memory_space<vmem>>
        %dma_start3A_208 = tpu.memref_squeeze %dma_start3A_207 : memref<1x64x512xf32, #tpu.memory_space<vmem>> -> memref<64x512xf32, #tpu.memory_space<vmem>>
        %dma_start3A_209 = arith.constant 0 : i32
        %dma_start3A_210 = tpu.memref_slice %arg2[%add3A_197, %dma_start3A_209] : memref<32768x512xf32, #tpu.memory_space<hbm>> -> memref<64x512xf32, #tpu.memory_space<hbm>>
        tpu.enqueue_dma source(%dma_start3A_210 : memref<64x512xf32, #tpu.memory_space<hbm>>) target(%dma_start3A_208 : memref<64x512xf32, #tpu.memory_space<vmem>>) target_semaphore(%arg11 : memref<!tpu.dma_semaphore, #tpu.memory_space<semaphore_mem>>)
      } else {
      }
      %mul3A_161 = arith.constant 2 : i32
      %mul3A_162 = arith.muli %add3A_132, %mul3A_161 : i32
      %add3A_163 = arith.constant 1 : i32
      %add3A_164 = arith.addi %mul3A_162, %add3A_163 : i32
      %dma_wait3A_165 = arith.constant 1 : i32
      %dma_wait3A_166 = arith.constant 0 : i32
      %dma_wait3A_167 = arith.constant 0 : i32
      %dma_wait3A_168 = tpu.memref_slice %arg4[%dma_wait3A_165, %dma_wait3A_166, %dma_wait3A_167] : memref<2x64x512xf32, #tpu.memory_space<vmem>> -> memref<1x64x512xf32, #tpu.memory_space<vmem>>
      %dma_wait3A_169 = tpu.memref_squeeze %dma_wait3A_168 : memref<1x64x512xf32, #tpu.memory_space<vmem>> -> memref<64x512xf32, #tpu.memory_space<vmem>>
      %dma_wait3A_170 = arith.constant 0 : i32
      %dma_wait3A_171 = arith.constant 0 : i32
      %dma_wait3A_172 = tpu.memref_slice %arg2[%dma_wait3A_170, %dma_wait3A_171] : memref<32768x512xf32, #tpu.memory_space<hbm>> -> memref<64x512xf32, #tpu.memory_space<hbm>>
      %dma_wait3A_173 = arith.constant 0 : i32
      %dma_wait3A_174 = arith.constant 0 : i32
      %dma_wait3A_175 = tpu.memref_slice %arg4[%dma_wait3A_165, %dma_wait3A_173, %dma_wait3A_174] : memref<2x64x512xf32, #tpu.memory_space<vmem>> -> memref<1x64x512xf32, #tpu.memory_space<vmem>>
      %dma_wait3A_176 = tpu.memref_squeeze %dma_wait3A_175 : memref<1x64x512xf32, #tpu.memory_space<vmem>> -> memref<64x512xf32, #tpu.memory_space<vmem>>
      %dma_wait3A_177 = arith.constant 0 : i32
      %dma_wait3A_178 = arith.constant 0 : i32
      %dma_wait3A_179 = tpu.memref_slice %arg2[%dma_wait3A_177, %dma_wait3A_178] : memref<32768x512xf32, #tpu.memory_space<hbm>> -> memref<64x512xf32, #tpu.memory_space<hbm>>
      tpu.wait_dma2 semaphore(%arg12 : memref<!tpu.dma_semaphore, #tpu.memory_space<semaphore_mem>>) src(%dma_wait3A_179 : memref<64x512xf32, #tpu.memory_space<hbm>>) dst(%dma_wait3A_176 : memref<64x512xf32, #tpu.memory_space<vmem>>)
      %scan3A_180 = arith.constant 1 : i32
      %scan3A_181 = arith.constant 0 : i32
      %scan3A_182 = arith.constant 32 : i32
      %scan3A_183 = arith.addi %scan3A_181, %scan3A_182 : i32
      %scan3A_184 = arith.constant 1 : i32
      scf.for %scan3A_193 = %scan3A_181 to %scan3A_183 step %scan3A_184  : i32 {
        %mul3A_194 = arith.constant 1 : i32
        %mul3A_195 = arith.muli %scan3A_193, %mul3A_194 : i32
        %add3A_196 = arith.constant 0 : i32
        %add3A_197 = arith.addi %add3A_196, %mul3A_195 : i32
        %mul3A_198 = arith.constant 16 : i32
        %mul3A_199 = arith.muli %add3A_197, %mul3A_198 : i32
        %scan3A_200 = arith.constant 0 : i32
        %scan3A_201 = arith.constant 8 : i32
        %scan3A_202 = arith.addi %scan3A_200, %scan3A_201 : i32
        %scan3A_203 = arith.constant 1 : i32
        %scan3A_204:8 = scf.for %scan3A_228 = %scan3A_200 to %scan3A_202 step %scan3A_203 iter_args(%scan3A_229 = %broadcast_in_dim3A_3, %scan3A_230 = %broadcast_in_dim3A_3, %scan3A_231 = %broadcast_in_dim3A_3, %scan3A_232 = %broadcast_in_dim3A_3, %scan3A_233 = %broadcast_in_dim3A_3, %scan3A_234 = %broadcast_in_dim3A_3, %scan3A_235 = %broadcast_in_dim3A_3, %scan3A_236 = %broadcast_in_dim3A_3) -> (vector<16xf32>, vector<16xf32>, vector<16xf32>, vector<16xf32>, vector<16xf32>, vector<16xf32>, vector<16xf32>, vector<16xf32>)  : i32 {
          %mul3A_237 = arith.constant 8 : i32
          %mul3A_238 = arith.muli %scan3A_228, %mul3A_237 : i32
          %add3A_239 = arith.constant 0 : i32
          %add3A_240 = arith.addi %mul3A_238, %add3A_239 : i32
          %get3A_241 = arith.constant 0 : i32
          %get3A_242 = arith.constant 0 : i32
          %get3A_243 = tpu.memref_slice %arg4[%scan3A_180, %get3A_241, %get3A_242] : memref<2x64x512xf32, #tpu.memory_space<vmem>> -> memref<1x64x512xf32, #tpu.memory_space<vmem>>
          %get3A_244 = tpu.memref_squeeze %get3A_243 : memref<1x64x512xf32, #tpu.memory_space<vmem>> -> memref<64x512xf32, #tpu.memory_space<vmem>>
          %get3A_245 = arith.index_cast %add3A_240 : i32 to index
          %get3A_246 = arith.index_cast %mul3A_199 : i32 to index
          %get3A_247 = tpu.vector_load %get3A_244[%get3A_245, %get3A_246] {strides = array<i32>} : memref<64x512xf32, #tpu.memory_space<vmem>>, vector<1x16xf32>,
          %get3A_248 = vector.shape_cast %get3A_247 : vector<1x16xf32> to vector<16xf32>
          %add3A_249 = arith.addf %scan3A_229, %get3A_248 : vector<16xf32>
          %mul3A_250 = arith.mulf %get3A_248, %get3A_248 : vector<16xf32>
          %add3A_251 = arith.addf %scan3A_233, %mul3A_250 : vector<16xf32>
          %mul3A_252 = arith.constant 8 : i32
          %mul3A_253 = arith.muli %scan3A_228, %mul3A_252 : i32
          %add3A_254 = arith.constant 1 : i32
          %add3A_255 = arith.addi %mul3A_253, %add3A_254 : i32
          %get3A_256 = arith.constant 0 : i32
          %get3A_257 = arith.constant 0 : i32
          %get3A_258 = tpu.memref_slice %arg4[%scan3A_180, %get3A_256, %get3A_257] : memref<2x64x512xf32, #tpu.memory_space<vmem>> -> memref<1x64x512xf32, #tpu.memory_space<vmem>>
          %get3A_259 = tpu.memref_squeeze %get3A_258 : memref<1x64x512xf32, #tpu.memory_space<vmem>> -> memref<64x512xf32, #tpu.memory_space<vmem>>
          %get3A_260 = arith.index_cast %add3A_255 : i32 to index
          %get3A_261 = arith.index_cast %mul3A_199 : i32 to index
          %get3A_262 = tpu.vector_load %get3A_259[%get3A_260, %get3A_261] {strides = array<i32>} : memref<64x512xf32, #tpu.memory_space<vmem>>, vector<1x16xf32>,
          %get3A_263 = vector.shape_cast %get3A_262 : vector<1x16xf32> to vector<16xf32>
          %add3A_264 = arith.addf %scan3A_230, %get3A_263 : vector<16xf32>
          %mul3A_265 = arith.mulf %get3A_263, %get3A_263 : vector<16xf32>
          %add3A_266 = arith.addf %scan3A_234, %mul3A_265 : vector<16xf32>
          %mul3A_267 = arith.constant 8 : i32
          %mul3A_268 = arith.muli %scan3A_228, %mul3A_267 : i32
          %add3A_269 = arith.constant 2 : i32
          %add3A_270 = arith.addi %mul3A_268, %add3A_269 : i32
          %get3A_271 = arith.constant 0 : i32
          %get3A_272 = arith.constant 0 : i32
          %get3A_273 = tpu.memref_slice %arg4[%scan3A_180, %get3A_271, %get3A_272] : memref<2x64x512xf32, #tpu.memory_space<vmem>> -> memref<1x64x512xf32, #tpu.memory_space<vmem>>
          %get3A_274 = tpu.memref_squeeze %get3A_273 : memref<1x64x512xf32, #tpu.memory_space<vmem>> -> memref<64x512xf32, #tpu.memory_space<vmem>>
          %get3A_275 = arith.index_cast %add3A_270 : i32 to index
          %get3A_276 = arith.index_cast %mul3A_199 : i32 to index
          %get3A_277 = tpu.vector_load %get3A_274[%get3A_275, %get3A_276] {strides = array<i32>} : memref<64x512xf32, #tpu.memory_space<vmem>>, vector<1x16xf32>,
          %get3A_278 = vector.shape_cast %get3A_277 : vector<1x16xf32> to vector<16xf32>
          %add3A_279 = arith.addf %scan3A_231, %get3A_278 : vector<16xf32>
          %mul3A_280 = arith.mulf %get3A_278, %get3A_278 : vector<16xf32>
          %add3A_281 = arith.addf %scan3A_235, %mul3A_280 : vector<16xf32>
          %mul3A_282 = arith.constant 8 : i32
          %mul3A_283 = arith.muli %scan3A_228, %mul3A_282 : i32
          %add3A_284 = arith.constant 3 : i32
          %add3A_285 = arith.addi %mul3A_283, %add3A_284 : i32
          %get3A_286 = arith.constant 0 : i32
          %get3A_287 = arith.constant 0 : i32
          %get3A_288 = tpu.memref_slice %arg4[%scan3A_180, %get3A_286, %get3A_287] : memref<2x64x512xf32, #tpu.memory_space<vmem>> -> memref<1x64x512xf32, #tpu.memory_space<vmem>>
          %get3A_289 = tpu.memref_squeeze %get3A_288 : memref<1x64x512xf32, #tpu.memory_space<vmem>> -> memref<64x512xf32, #tpu.memory_space<vmem>>
          %get3A_290 = arith.index_cast %add3A_285 : i32 to index
          %get3A_291 = arith.index_cast %mul3A_199 : i32 to index
          %get3A_292 = tpu.vector_load %get3A_289[%get3A_290, %get3A_291] {strides = array<i32>} : memref<64x512xf32, #tpu.memory_space<vmem>>, vector<1x16xf32>,
          %get3A_293 = vector.shape_cast %get3A_292 : vector<1x16xf32> to vector<16xf32>
          %add3A_294 = arith.addf %scan3A_232, %get3A_293 : vector<16xf32>
          %mul3A_295 = arith.mulf %get3A_293, %get3A_293 : vector<16xf32>
          %add3A_296 = arith.addf %scan3A_236, %mul3A_295 : vector<16xf32>
          %mul3A_297 = arith.constant 8 : i32
          %mul3A_298 = arith.muli %scan3A_228, %mul3A_297 : i32
          %add3A_299 = arith.constant 4 : i32
          %add3A_300 = arith.addi %mul3A_298, %add3A_299 : i32
          %get3A_301 = arith.constant 0 : i32
          %get3A_302 = arith.constant 0 : i32
          %get3A_303 = tpu.memref_slice %arg4[%scan3A_180, %get3A_301, %get3A_302] : memref<2x64x512xf32, #tpu.memory_space<vmem>> -> memref<1x64x512xf32, #tpu.memory_space<vmem>>
          %get3A_304 = tpu.memref_squeeze %get3A_303 : memref<1x64x512xf32, #tpu.memory_space<vmem>> -> memref<64x512xf32, #tpu.memory_space<vmem>>
          %get3A_305 = arith.index_cast %add3A_300 : i32 to index
          %get3A_306 = arith.index_cast %mul3A_199 : i32 to index
          %get3A_307 = tpu.vector_load %get3A_304[%get3A_305, %get3A_306] {strides = array<i32>} : memref<64x512xf32, #tpu.memory_space<vmem>>, vector<1x16xf32>,
          %get3A_308 = vector.shape_cast %get3A_307 : vector<1x16xf32> to vector<16xf32>
          %add3A_309 = arith.addf %add3A_249, %get3A_308 : vector<16xf32>
          %mul3A_310 = arith.mulf %get3A_308, %get3A_308 : vector<16xf32>
          %add3A_311 = arith.addf %add3A_251, %mul3A_310 : vector<16xf32>
          %mul3A_312 = arith.constant 8 : i32
          %mul3A_313 = arith.muli %scan3A_228, %mul3A_312 : i32
          %add3A_314 = arith.constant 5 : i32
          %add3A_315 = arith.addi %mul3A_313, %add3A_314 : i32
          %get3A_316 = arith.constant 0 : i32
          %get3A_317 = arith.constant 0 : i32
          %get3A_318 = tpu.memref_slice %arg4[%scan3A_180, %get3A_316, %get3A_317] : memref<2x64x512xf32, #tpu.memory_space<vmem>> -> memref<1x64x512xf32, #tpu.memory_space<vmem>>
          %get3A_319 = tpu.memref_squeeze %get3A_318 : memref<1x64x512xf32, #tpu.memory_space<vmem>> -> memref<64x512xf32, #tpu.memory_space<vmem>>
          %get3A_320 = arith.index_cast %add3A_315 : i32 to index
          %get3A_321 = arith.index_cast %mul3A_199 : i32 to index
          %get3A_322 = tpu.vector_load %get3A_319[%get3A_320, %get3A_321] {strides = array<i32>} : memref<64x512xf32, #tpu.memory_space<vmem>>, vector<1x16xf32>,
          %get3A_323 = vector.shape_cast %get3A_322 : vector<1x16xf32> to vector<16xf32>
          %add3A_324 = arith.addf %add3A_264, %get3A_323 : vector<16xf32>
          %mul3A_325 = arith.mulf %get3A_323, %get3A_323 : vector<16xf32>
          %add3A_326 = arith.addf %add3A_266, %mul3A_325 : vector<16xf32>
          %mul3A_327 = arith.constant 8 : i32
          %mul3A_328 = arith.muli %scan3A_228, %mul3A_327 : i32
          %add3A_329 = arith.constant 6 : i32
          %add3A_330 = arith.addi %mul3A_328, %add3A_329 : i32
          %get3A_331 = arith.constant 0 : i32
          %get3A_332 = arith.constant 0 : i32
          %get3A_333 = tpu.memref_slice %arg4[%scan3A_180, %get3A_331, %get3A_332] : memref<2x64x512xf32, #tpu.memory_space<vmem>> -> memref<1x64x512xf32, #tpu.memory_space<vmem>>
          %get3A_334 = tpu.memref_squeeze %get3A_333 : memref<1x64x512xf32, #tpu.memory_space<vmem>> -> memref<64x512xf32, #tpu.memory_space<vmem>>
          %get3A_335 = arith.index_cast %add3A_330 : i32 to index
          %get3A_336 = arith.index_cast %mul3A_199 : i32 to index
          %get3A_337 = tpu.vector_load %get3A_334[%get3A_335, %get3A_336] {strides = array<i32>} : memref<64x512xf32, #tpu.memory_space<vmem>>, vector<1x16xf32>,
          %get3A_338 = vector.shape_cast %get3A_337 : vector<1x16xf32> to vector<16xf32>
          %add3A_339 = arith.addf %add3A_279, %get3A_338 : vector<16xf32>
          %mul3A_340 = arith.mulf %get3A_338, %get3A_338 : vector<16xf32>
          %add3A_341 = arith.addf %add3A_281, %mul3A_340 : vector<16xf32>
          %mul3A_342 = arith.constant 8 : i32
          %mul3A_343 = arith.muli %scan3A_228, %mul3A_342 : i32
          %add3A_344 = arith.constant 7 : i32
          %add3A_345 = arith.addi %mul3A_343, %add3A_344 : i32
          %get3A_346 = arith.constant 0 : i32
          %get3A_347 = arith.constant 0 : i32
          %get3A_348 = tpu.memref_slice %arg4[%scan3A_180, %get3A_346, %get3A_347] : memref<2x64x512xf32, #tpu.memory_space<vmem>> -> memref<1x64x512xf32, #tpu.memory_space<vmem>>
          %get3A_349 = tpu.memref_squeeze %get3A_348 : memref<1x64x512xf32, #tpu.memory_space<vmem>> -> memref<64x512xf32, #tpu.memory_space<vmem>>
          %get3A_350 = arith.index_cast %add3A_345 : i32 to index
          %get3A_351 = arith.index_cast %mul3A_199 : i32 to index
          %get3A_352 = tpu.vector_load %get3A_349[%get3A_350, %get3A_351] {strides = array<i32>} : memref<64x512xf32, #tpu.memory_space<vmem>>, vector<1x16xf32>,
          %get3A_353 = vector.shape_cast %get3A_352 : vector<1x16xf32> to vector<16xf32>
          %add3A_354 = arith.addf %add3A_294, %get3A_353 : vector<16xf32>
          %mul3A_355 = arith.mulf %get3A_353, %get3A_353 : vector<16xf32>
          %add3A_356 = arith.addf %add3A_296, %mul3A_355 : vector<16xf32>
          scf.yield %add3A_309, %add3A_324, %add3A_339, %add3A_354, %add3A_311, %add3A_326, %add3A_341, %add3A_356 : vector<16xf32>, vector<16xf32>, vector<16xf32>, vector<16xf32>, vector<16xf32>, vector<16xf32>, vector<16xf32>, vector<16xf32>
        }
        %scan3A_205 = arith.constant 8 : i32
        %add3A_206 = arith.addf %scan3A_204#0, %scan3A_204#1 : vector<16xf32>
        %add3A_207 = arith.addf %scan3A_204#2, %scan3A_204#3 : vector<16xf32>
        %add3A_208 = arith.addf %add3A_206, %add3A_207 : vector<16xf32>
        %add3A_209 = arith.addf %scan3A_204#4, %scan3A_204#5 : vector<16xf32>
        %add3A_210 = arith.addf %scan3A_204#6, %scan3A_204#7 : vector<16xf32>
        %add3A_211 = arith.addf %add3A_209, %add3A_210 : vector<16xf32>
        %get3A_212 = arith.index_cast %mul3A_199 : i32 to index
        %get3A_213 = tpu.vector_load %arg5[%get3A_212] {strides = array<i32>} : memref<512xf32, #tpu.memory_space<vmem>>, vector<16xf32>,
        %get3A_214 = vector.shape_cast %get3A_213 : vector<16xf32> to vector<16xf32>
        %add3A_215 = arith.addf %get3A_214, %add3A_208 : vector<16xf32>
        %swap3A_216 = arith.index_cast %mul3A_199 : i32 to index
        %swap3A_217 = tpu.vector_load %arg5[%swap3A_216] {strides = array<i32>} : memref<512xf32, #tpu.memory_space<vmem>>, vector<16xf32>,
        %swap3A_218 = vector.shape_cast %swap3A_217 : vector<16xf32> to vector<16xf32>
        %swap3A_219 = vector.shape_cast %add3A_215 : vector<16xf32> to vector<16xf32>
        tpu.vector_store %arg5[%swap3A_216], %swap3A_219 {strides = array<i32>} : memref<512xf32, #tpu.memory_space<vmem>>, vector<16xf32>,
        %get3A_220 = arith.constant 0 : index
        %get3A_221 = tpu.vector_load %arg8[%get3A_220] {strides = array<i32>} : memref<16xf32, #tpu.memory_space<vmem>>, vector<16xf32>,
        %get3A_222 = vector.shape_cast %get3A_221 : vector<16xf32> to vector<16xf32>
        %add3A_223 = arith.addf %get3A_222, %add3A_211 : vector<16xf32>
        %swap3A_224 = arith.constant 0 : index
        %swap3A_225 = tpu.vector_load %arg8[%swap3A_224] {strides = array<i32>} : memref<16xf32, #tpu.memory_space<vmem>>, vector<16xf32>,
        %swap3A_226 = vector.shape_cast %swap3A_225 : vector<16xf32> to vector<16xf32>
        %swap3A_227 = vector.shape_cast %add3A_223 : vector<16xf32> to vector<16xf32>
        tpu.vector_store %arg8[%swap3A_224], %swap3A_227 {strides = array<i32>} : memref<16xf32, #tpu.memory_space<vmem>>, vector<16xf32>,
      }
      %scan3A_185 = arith.constant 32 : i32
      %add3A_186 = arith.constant 2 : i32
      %add3A_187 = arith.addi %add3A_164, %add3A_186 : i32
      %lt3A_188 = arith.constant 4 : i32
      %lt3A_189 = arith.cmpi slt, %add3A_187, %lt3A_188 : i32
      %convert_element_type3A_190 = arith.extui %lt3A_189 : i1 to i32
      %cond3A_191 = arith.constant 0 : i32
      %cond3A_192 = arith.cmpi ne, %convert_element_type3A_190, %cond3A_191 : i32
      scf.if %cond3A_192 {
        %add3A_193 = arith.constant 2 : i32
        %add3A_194 = arith.addi %add3A_164, %add3A_193 : i32
        %mul3A_195 = arith.constant 64 : i32
        %mul3A_196 = arith.muli %add3A_194, %mul3A_195 : i32
        %add3A_197 = arith.addi %mul3A_2, %mul3A_196 : i32
        %dma_start3A_198 = arith.constant 1 : i32
        %dma_start3A_199 = arith.constant 0 : i32
        %dma_start3A_200 = arith.constant 0 : i32
        %dma_start3A_201 = tpu.memref_slice %arg4[%dma_start3A_198, %dma_start3A_199, %dma_start3A_200] : memref<2x64x512xf32, #tpu.memory_space<vmem>> -> memref<1x64x512xf32, #tpu.memory_space<vmem>>
        %dma_start3A_202 = tpu.memref_squeeze %dma_start3A_201 : memref<1x64x512xf32, #tpu.memory_space<vmem>> -> memref<64x512xf32, #tpu.memory_space<vmem>>
        %dma_start3A_203 = arith.constant 0 : i32
        %dma_start3A_204 = tpu.memref_slice %arg2[%add3A_197, %dma_start3A_203] : memref<32768x512xf32, #tpu.memory_space<hbm>> -> memref<64x512xf32, #tpu.memory_space<hbm>>
        %dma_start3A_205 = arith.constant 0 : i32
        %dma_start3A_206 = arith.constant 0 : i32
        %dma_start3A_207 = tpu.memref_slice %arg4[%dma_start3A_198, %dma_start3A_205, %dma_start3A_206] : memref<2x64x512xf32, #tpu.memory_space<vmem>> -> memref<1x64x512xf32, #tpu.memory_space<vmem>>
        %dma_start3A_208 = tpu.memref_squeeze %dma_start3A_207 : memref<1x64x512xf32, #tpu.memory_space<vmem>> -> memref<64x512xf32, #tpu.memory_space<vmem>>
        %dma_start3A_209 = arith.constant 0 : i32
        %dma_start3A_210 = tpu.memref_slice %arg2[%add3A_197, %dma_start3A_209] : memref<32768x512xf32, #tpu.memory_space<hbm>> -> memref<64x512xf32, #tpu.memory_space<hbm>>
        tpu.enqueue_dma source(%dma_start3A_210 : memref<64x512xf32, #tpu.memory_space<hbm>>) target(%dma_start3A_208 : memref<64x512xf32, #tpu.memory_space<vmem>>) target_semaphore(%arg12 : memref<!tpu.dma_semaphore, #tpu.memory_space<semaphore_mem>>)
      } else {
      }
    }
    %scan3A_44 = arith.constant 2 : i32
    "tpu.region"() ({
      %run_scoped3A = tpu.sem_alloc : memref<!tpu.dma_semaphore, #tpu.memory_space<semaphore_mem>>
      %dma_start3A_128 = arith.constant 0 : i32
      %dma_start3A_129 = tpu.memref_slice %arg10[%arg1, %dma_start3A_128] : memref<16x512xf32, #tpu.memory_space<vmem_shared>> -> memref<1x512xf32, #tpu.memory_space<vmem_shared>>
      %dma_start3A_130 = tpu.memref_squeeze %dma_start3A_129 : memref<1x512xf32, #tpu.memory_space<vmem_shared>> -> memref<512xf32, #tpu.memory_space<vmem_shared>>
      %dma_start3A_131 = arith.constant 0 : i32
      %dma_start3A_132 = tpu.memref_slice %arg10[%arg1, %dma_start3A_131] : memref<16x512xf32, #tpu.memory_space<vmem_shared>> -> memref<1x512xf32, #tpu.memory_space<vmem_shared>>
      %dma_start3A_133 = tpu.memref_squeeze %dma_start3A_132 : memref<1x512xf32, #tpu.memory_space<vmem_shared>> -> memref<512xf32, #tpu.memory_space<vmem_shared>>
      tpu.enqueue_dma source(%arg5 : memref<512xf32, #tpu.memory_space<vmem>>) target(%dma_start3A_133 : memref<512xf32, #tpu.memory_space<vmem_shared>>) target_semaphore(%run_scoped3A : memref<!tpu.dma_semaphore, #tpu.memory_space<semaphore_mem>>)
      %dma_wait3A = arith.constant 0 : i32
      %dma_wait3A_134 = tpu.memref_slice %arg10[%arg1, %dma_wait3A] : memref<16x512xf32, #tpu.memory_space<vmem_shared>> -> memref<1x512xf32, #tpu.memory_space<vmem_shared>>
      %dma_wait3A_135 = tpu.memref_squeeze %dma_wait3A_134 : memref<1x512xf32, #tpu.memory_space<vmem_shared>> -> memref<512xf32, #tpu.memory_space<vmem_shared>>
      %dma_wait3A_136 = arith.constant 0 : i32
      %dma_wait3A_137 = tpu.memref_slice %arg10[%arg1, %dma_wait3A_136] : memref<16x512xf32, #tpu.memory_space<vmem_shared>> -> memref<1x512xf32, #tpu.memory_space<vmem_shared>>
      %dma_wait3A_138 = tpu.memref_squeeze %dma_wait3A_137 : memref<1x512xf32, #tpu.memory_space<vmem_shared>> -> memref<512xf32, #tpu.memory_space<vmem_shared>>
      tpu.wait_dma2 semaphore(%run_scoped3A : memref<!tpu.dma_semaphore, #tpu.memory_space<semaphore_mem>>) src(%arg5 : memref<512xf32, #tpu.memory_space<vmem>>) dst(%dma_wait3A_138 : memref<512xf32, #tpu.memory_space<vmem_shared>>)
      tpu.yield
    }) : () -> ()
    %barrier3A = arith.constant 0 : index
    tpu.barrier barrier_id(%barrier3A)
    %jit3A = arith.constant 8 : i32
    %div3A = arith.divsi %arg1, %jit3A : i32
    %sign3A = arith.constant 0 : i32
    %sign3A_45 = arith.cmpi sgt, %arg1, %sign3A : i32
    %sign3A_46 = arith.extui %sign3A_45 : i1 to i32
    %sign3A_47 = arith.constant 0 : i32
    %sign3A_48 = arith.cmpi slt, %arg1, %sign3A_47 : i32
    %sign3A_49 = arith.extui %sign3A_48 : i1 to i32
    %sign3A_50 = arith.subi %sign3A_46, %sign3A_49 : i32
    %sign3A_51 = arith.constant 0 : i32
    %sign3A_52 = arith.cmpi sgt, %jit3A, %sign3A_51 : i32
    %sign3A_53 = arith.extui %sign3A_52 : i1 to i32
    %sign3A_54 = arith.constant 0 : i32
    %sign3A_55 = arith.cmpi slt, %jit3A, %sign3A_54 : i32
    %sign3A_56 = arith.extui %sign3A_55 : i1 to i32
    %sign3A_57 = arith.subi %sign3A_53, %sign3A_56 : i32
    %ne3A = arith.cmpi ne, %sign3A_50, %sign3A_57 : i32
    %rem3A = arith.remsi %arg1, %jit3A : i32
    %ne3A_58 = arith.constant 0 : i32
    %ne3A_59 = arith.cmpi ne, %rem3A, %ne3A_58 : i32
    %and3A = arith.andi %ne3A, %ne3A_59 : i1
    %sub3A = arith.constant 1 : i32
    %sub3A_60 = arith.subi %div3A, %sub3A : i32
    %select_n3A = arith.select %and3A, %sub3A_60, %div3A : i32
    %mul3A_61 = arith.constant 8 : i32
    %mul3A_62 = arith.muli %select_n3A, %mul3A_61 : i32
    "tpu.region"() ({
      %run_scoped3A = tpu.sem_alloc : memref<!tpu.dma_semaphore, #tpu.memory_space<semaphore_mem>>
      %dma_start3A_128 = arith.constant 0 : i32
      %dma_start3A_129 = tpu.memref_slice %arg10[%mul3A_62, %dma_start3A_128] : memref<16x512xf32, #tpu.memory_space<vmem_shared>> -> memref<1x512xf32, #tpu.memory_space<vmem_shared>>
      %dma_start3A_130 = tpu.memref_squeeze %dma_start3A_129 : memref<1x512xf32, #tpu.memory_space<vmem_shared>> -> memref<512xf32, #tpu.memory_space<vmem_shared>>
      %dma_start3A_131 = arith.constant 0 : i32
      %dma_start3A_132 = tpu.memref_slice %arg10[%mul3A_62, %dma_start3A_131] : memref<16x512xf32, #tpu.memory_space<vmem_shared>> -> memref<1x512xf32, #tpu.memory_space<vmem_shared>>
      %dma_start3A_133 = tpu.memref_squeeze %dma_start3A_132 : memref<1x512xf32, #tpu.memory_space<vmem_shared>> -> memref<512xf32, #tpu.memory_space<vmem_shared>>
      tpu.enqueue_dma source(%dma_start3A_133 : memref<512xf32, #tpu.memory_space<vmem_shared>>) target(%arg7 : memref<512xf32, #tpu.memory_space<vmem>>) target_semaphore(%run_scoped3A : memref<!tpu.dma_semaphore, #tpu.memory_space<semaphore_mem>>)
      %dma_wait3A = arith.constant 0 : i32
      %dma_wait3A_134 = tpu.memref_slice %arg10[%mul3A_62, %dma_wait3A] : memref<16x512xf32, #tpu.memory_space<vmem_shared>> -> memref<1x512xf32, #tpu.memory_space<vmem_shared>>
      %dma_wait3A_135 = tpu.memref_squeeze %dma_wait3A_134 : memref<1x512xf32, #tpu.memory_space<vmem_shared>> -> memref<512xf32, #tpu.memory_space<vmem_shared>>
      %dma_wait3A_136 = arith.constant 0 : i32
      %dma_wait3A_137 = tpu.memref_slice %arg10[%mul3A_62, %dma_wait3A_136] : memref<16x512xf32, #tpu.memory_space<vmem_shared>> -> memref<1x512xf32, #tpu.memory_space<vmem_shared>>
      %dma_wait3A_138 = tpu.memref_squeeze %dma_wait3A_137 : memref<1x512xf32, #tpu.memory_space<vmem_shared>> -> memref<512xf32, #tpu.memory_space<vmem_shared>>
      tpu.wait_dma2 semaphore(%run_scoped3A : memref<!tpu.dma_semaphore, #tpu.memory_space<semaphore_mem>>) src(%dma_wait3A_138 : memref<512xf32, #tpu.memory_space<vmem_shared>>) dst(%arg7 : memref<512xf32, #tpu.memory_space<vmem>>)
      tpu.yield
    }) : () -> ()
    %add3A_63 = arith.constant 1 : i32
    %add3A_64 = arith.addi %mul3A_62, %add3A_63 : i32
    "tpu.region"() ({
      %run_scoped3A = tpu.sem_alloc : memref<!tpu.dma_semaphore, #tpu.memory_space<semaphore_mem>>
      %dma_start3A_128 = arith.constant 0 : i32
      %dma_start3A_129 = tpu.memref_slice %arg10[%add3A_64, %dma_start3A_128] : memref<16x512xf32, #tpu.memory_space<vmem_shared>> -> memref<1x512xf32, #tpu.memory_space<vmem_shared>>
      %dma_start3A_130 = tpu.memref_squeeze %dma_start3A_129 : memref<1x512xf32, #tpu.memory_space<vmem_shared>> -> memref<512xf32, #tpu.memory_space<vmem_shared>>
      %dma_start3A_131 = arith.constant 0 : i32
      %dma_start3A_132 = tpu.memref_slice %arg10[%add3A_64, %dma_start3A_131] : memref<16x512xf32, #tpu.memory_space<vmem_shared>> -> memref<1x512xf32, #tpu.memory_space<vmem_shared>>
      %dma_start3A_133 = tpu.memref_squeeze %dma_start3A_132 : memref<1x512xf32, #tpu.memory_space<vmem_shared>> -> memref<512xf32, #tpu.memory_space<vmem_shared>>
      tpu.enqueue_dma source(%dma_start3A_133 : memref<512xf32, #tpu.memory_space<vmem_shared>>) target(%arg6 : memref<512xf32, #tpu.memory_space<vmem>>) target_semaphore(%run_scoped3A : memref<!tpu.dma_semaphore, #tpu.memory_space<semaphore_mem>>)
      %dma_wait3A = arith.constant 0 : i32
      %dma_wait3A_134 = tpu.memref_slice %arg10[%add3A_64, %dma_wait3A] : memref<16x512xf32, #tpu.memory_space<vmem_shared>> -> memref<1x512xf32, #tpu.memory_space<vmem_shared>>
      %dma_wait3A_135 = tpu.memref_squeeze %dma_wait3A_134 : memref<1x512xf32, #tpu.memory_space<vmem_shared>> -> memref<512xf32, #tpu.memory_space<vmem_shared>>
      %dma_wait3A_136 = arith.constant 0 : i32
      %dma_wait3A_137 = tpu.memref_slice %arg10[%add3A_64, %dma_wait3A_136] : memref<16x512xf32, #tpu.memory_space<vmem_shared>> -> memref<1x512xf32, #tpu.memory_space<vmem_shared>>
      %dma_wait3A_138 = tpu.memref_squeeze %dma_wait3A_137 : memref<1x512xf32, #tpu.memory_space<vmem_shared>> -> memref<512xf32, #tpu.memory_space<vmem_shared>>
      tpu.wait_dma2 semaphore(%run_scoped3A : memref<!tpu.dma_semaphore, #tpu.memory_space<semaphore_mem>>) src(%dma_wait3A_138 : memref<512xf32, #tpu.memory_space<vmem_shared>>) dst(%arg6 : memref<512xf32, #tpu.memory_space<vmem>>)
      tpu.yield
    }) : () -> ()
    %scan3A_65 = arith.constant 0 : i32
    %scan3A_66 = arith.constant 32 : i32
    %scan3A_67 = arith.addi %scan3A_65, %scan3A_66 : i32
    %scan3A_68 = arith.constant 1 : i32
    scf.for %scan3A_128 = %scan3A_65 to %scan3A_67 step %scan3A_68  : i32 {
      %mul3A_129 = arith.constant 1 : i32
      %mul3A_130 = arith.muli %scan3A_128, %mul3A_129 : i32
      %add3A_131 = arith.constant 0 : i32
      %add3A_132 = arith.addi %add3A_131, %mul3A_130 : i32
      %mul3A_133 = arith.constant 16 : i32
      %mul3A_134 = arith.muli %add3A_132, %mul3A_133 : i32
      %get3A_135 = arith.index_cast %mul3A_134 : i32 to index
      %get3A_136 = tpu.vector_load %arg7[%get3A_135] {strides = array<i32>} : memref<512xf32, #tpu.memory_space<vmem>>, vector<16xf32>,
      %get3A_137 = vector.shape_cast %get3A_136 : vector<16xf32> to vector<16xf32>
      %get3A_138 = arith.index_cast %mul3A_134 : i32 to index
      %get3A_139 = tpu.vector_load %arg6[%get3A_138] {strides = array<i32>} : memref<512xf32, #tpu.memory_space<vmem>>, vector<16xf32>,
      %get3A_140 = vector.shape_cast %get3A_139 : vector<16xf32> to vector<16xf32>
      %add3A_141 = arith.addf %get3A_137, %get3A_140 : vector<16xf32>
      %swap3A_142 = arith.index_cast %mul3A_134 : i32 to index
      %swap3A_143 = tpu.vector_load %arg7[%swap3A_142] {strides = array<i32>} : memref<512xf32, #tpu.memory_space<vmem>>, vector<16xf32>,
      %swap3A_144 = vector.shape_cast %swap3A_143 : vector<16xf32> to vector<16xf32>
      %swap3A_145 = vector.shape_cast %add3A_141 : vector<16xf32> to vector<16xf32>
      tpu.vector_store %arg7[%swap3A_142], %swap3A_145 {strides = array<i32>} : memref<512xf32, #tpu.memory_space<vmem>>, vector<16xf32>,
    }
    %scan3A_69 = arith.constant 32 : i32
    %add3A_70 = arith.constant 2 : i32
    %add3A_71 = arith.addi %mul3A_62, %add3A_70 : i32
    "tpu.region"() ({
      %run_scoped3A = tpu.sem_alloc : memref<!tpu.dma_semaphore, #tpu.memory_space<semaphore_mem>>
      %dma_start3A_128 = arith.constant 0 : i32
      %dma_start3A_129 = tpu.memref_slice %arg10[%add3A_71, %dma_start3A_128] : memref<16x512xf32, #tpu.memory_space<vmem_shared>> -> memref<1x512xf32, #tpu.memory_space<vmem_shared>>
      %dma_start3A_130 = tpu.memref_squeeze %dma_start3A_129 : memref<1x512xf32, #tpu.memory_space<vmem_shared>> -> memref<512xf32, #tpu.memory_space<vmem_shared>>
      %dma_start3A_131 = arith.constant 0 : i32
      %dma_start3A_132 = tpu.memref_slice %arg10[%add3A_71, %dma_start3A_131] : memref<16x512xf32, #tpu.memory_space<vmem_shared>> -> memref<1x512xf32, #tpu.memory_space<vmem_shared>>
      %dma_start3A_133 = tpu.memref_squeeze %dma_start3A_132 : memref<1x512xf32, #tpu.memory_space<vmem_shared>> -> memref<512xf32, #tpu.memory_space<vmem_shared>>
      tpu.enqueue_dma source(%dma_start3A_133 : memref<512xf32, #tpu.memory_space<vmem_shared>>) target(%arg6 : memref<512xf32, #tpu.memory_space<vmem>>) target_semaphore(%run_scoped3A : memref<!tpu.dma_semaphore, #tpu.memory_space<semaphore_mem>>)
      %dma_wait3A = arith.constant 0 : i32
      %dma_wait3A_134 = tpu.memref_slice %arg10[%add3A_71, %dma_wait3A] : memref<16x512xf32, #tpu.memory_space<vmem_shared>> -> memref<1x512xf32, #tpu.memory_space<vmem_shared>>
      %dma_wait3A_135 = tpu.memref_squeeze %dma_wait3A_134 : memref<1x512xf32, #tpu.memory_space<vmem_shared>> -> memref<512xf32, #tpu.memory_space<vmem_shared>>
      %dma_wait3A_136 = arith.constant 0 : i32
      %dma_wait3A_137 = tpu.memref_slice %arg10[%add3A_71, %dma_wait3A_136] : memref<16x512xf32, #tpu.memory_space<vmem_shared>> -> memref<1x512xf32, #tpu.memory_space<vmem_shared>>
      %dma_wait3A_138 = tpu.memref_squeeze %dma_wait3A_137 : memref<1x512xf32, #tpu.memory_space<vmem_shared>> -> memref<512xf32, #tpu.memory_space<vmem_shared>>
      tpu.wait_dma2 semaphore(%run_scoped3A : memref<!tpu.dma_semaphore, #tpu.memory_space<semaphore_mem>>) src(%dma_wait3A_138 : memref<512xf32, #tpu.memory_space<vmem_shared>>) dst(%arg6 : memref<512xf32, #tpu.memory_space<vmem>>)
      tpu.yield
    }) : () -> ()
    %scan3A_72 = arith.constant 0 : i32
    %scan3A_73 = arith.constant 32 : i32
    %scan3A_74 = arith.addi %scan3A_72, %scan3A_73 : i32
    %scan3A_75 = arith.constant 1 : i32
    scf.for %scan3A_128 = %scan3A_72 to %scan3A_74 step %scan3A_75  : i32 {
      %mul3A_129 = arith.constant 1 : i32
      %mul3A_130 = arith.muli %scan3A_128, %mul3A_129 : i32
      %add3A_131 = arith.constant 0 : i32
      %add3A_132 = arith.addi %add3A_131, %mul3A_130 : i32
      %mul3A_133 = arith.constant 16 : i32
      %mul3A_134 = arith.muli %add3A_132, %mul3A_133 : i32
      %get3A_135 = arith.index_cast %mul3A_134 : i32 to index
      %get3A_136 = tpu.vector_load %arg7[%get3A_135] {strides = array<i32>} : memref<512xf32, #tpu.memory_space<vmem>>, vector<16xf32>,
      %get3A_137 = vector.shape_cast %get3A_136 : vector<16xf32> to vector<16xf32>
      %get3A_138 = arith.index_cast %mul3A_134 : i32 to index
      %get3A_139 = tpu.vector_load %arg6[%get3A_138] {strides = array<i32>} : memref<512xf32, #tpu.memory_space<vmem>>, vector<16xf32>,
      %get3A_140 = vector.shape_cast %get3A_139 : vector<16xf32> to vector<16xf32>
      %add3A_141 = arith.addf %get3A_137, %get3A_140 : vector<16xf32>
      %swap3A_142 = arith.index_cast %mul3A_134 : i32 to index
      %swap3A_143 = tpu.vector_load %arg7[%swap3A_142] {strides = array<i32>} : memref<512xf32, #tpu.memory_space<vmem>>, vector<16xf32>,
      %swap3A_144 = vector.shape_cast %swap3A_143 : vector<16xf32> to vector<16xf32>
      %swap3A_145 = vector.shape_cast %add3A_141 : vector<16xf32> to vector<16xf32>
      tpu.vector_store %arg7[%swap3A_142], %swap3A_145 {strides = array<i32>} : memref<512xf32, #tpu.memory_space<vmem>>, vector<16xf32>,
    }
    %scan3A_76 = arith.constant 32 : i32
    %add3A_77 = arith.constant 3 : i32
    %add3A_78 = arith.addi %mul3A_62, %add3A_77 : i32
    "tpu.region"() ({
      %run_scoped3A = tpu.sem_alloc : memref<!tpu.dma_semaphore, #tpu.memory_space<semaphore_mem>>
      %dma_start3A_128 = arith.constant 0 : i32
      %dma_start3A_129 = tpu.memref_slice %arg10[%add3A_78, %dma_start3A_128] : memref<16x512xf32, #tpu.memory_space<vmem_shared>> -> memref<1x512xf32, #tpu.memory_space<vmem_shared>>
      %dma_start3A_130 = tpu.memref_squeeze %dma_start3A_129 : memref<1x512xf32, #tpu.memory_space<vmem_shared>> -> memref<512xf32, #tpu.memory_space<vmem_shared>>
      %dma_start3A_131 = arith.constant 0 : i32
      %dma_start3A_132 = tpu.memref_slice %arg10[%add3A_78, %dma_start3A_131] : memref<16x512xf32, #tpu.memory_space<vmem_shared>> -> memref<1x512xf32, #tpu.memory_space<vmem_shared>>
      %dma_start3A_133 = tpu.memref_squeeze %dma_start3A_132 : memref<1x512xf32, #tpu.memory_space<vmem_shared>> -> memref<512xf32, #tpu.memory_space<vmem_shared>>
      tpu.enqueue_dma source(%dma_start3A_133 : memref<512xf32, #tpu.memory_space<vmem_shared>>) target(%arg6 : memref<512xf32, #tpu.memory_space<vmem>>) target_semaphore(%run_scoped3A : memref<!tpu.dma_semaphore, #tpu.memory_space<semaphore_mem>>)
      %dma_wait3A = arith.constant 0 : i32
      %dma_wait3A_134 = tpu.memref_slice %arg10[%add3A_78, %dma_wait3A] : memref<16x512xf32, #tpu.memory_space<vmem_shared>> -> memref<1x512xf32, #tpu.memory_space<vmem_shared>>
      %dma_wait3A_135 = tpu.memref_squeeze %dma_wait3A_134 : memref<1x512xf32, #tpu.memory_space<vmem_shared>> -> memref<512xf32, #tpu.memory_space<vmem_shared>>
      %dma_wait3A_136 = arith.constant 0 : i32
      %dma_wait3A_137 = tpu.memref_slice %arg10[%add3A_78, %dma_wait3A_136] : memref<16x512xf32, #tpu.memory_space<vmem_shared>> -> memref<1x512xf32, #tpu.memory_space<vmem_shared>>
      %dma_wait3A_138 = tpu.memref_squeeze %dma_wait3A_137 : memref<1x512xf32, #tpu.memory_space<vmem_shared>> -> memref<512xf32, #tpu.memory_space<vmem_shared>>
      tpu.wait_dma2 semaphore(%run_scoped3A : memref<!tpu.dma_semaphore, #tpu.memory_space<semaphore_mem>>) src(%dma_wait3A_138 : memref<512xf32, #tpu.memory_space<vmem_shared>>) dst(%arg6 : memref<512xf32, #tpu.memory_space<vmem>>)
      tpu.yield
    }) : () -> ()
    %scan3A_79 = arith.constant 0 : i32
    %scan3A_80 = arith.constant 32 : i32
    %scan3A_81 = arith.addi %scan3A_79, %scan3A_80 : i32
    %scan3A_82 = arith.constant 1 : i32
    scf.for %scan3A_128 = %scan3A_79 to %scan3A_81 step %scan3A_82  : i32 {
      %mul3A_129 = arith.constant 1 : i32
      %mul3A_130 = arith.muli %scan3A_128, %mul3A_129 : i32
      %add3A_131 = arith.constant 0 : i32
      %add3A_132 = arith.addi %add3A_131, %mul3A_130 : i32
      %mul3A_133 = arith.constant 16 : i32
      %mul3A_134 = arith.muli %add3A_132, %mul3A_133 : i32
      %get3A_135 = arith.index_cast %mul3A_134 : i32 to index
      %get3A_136 = tpu.vector_load %arg7[%get3A_135] {strides = array<i32>} : memref<512xf32, #tpu.memory_space<vmem>>, vector<16xf32>,
      %get3A_137 = vector.shape_cast %get3A_136 : vector<16xf32> to vector<16xf32>
      %get3A_138 = arith.index_cast %mul3A_134 : i32 to index
      %get3A_139 = tpu.vector_load %arg6[%get3A_138] {strides = array<i32>} : memref<512xf32, #tpu.memory_space<vmem>>, vector<16xf32>,
      %get3A_140 = vector.shape_cast %get3A_139 : vector<16xf32> to vector<16xf32>
      %add3A_141 = arith.addf %get3A_137, %get3A_140 : vector<16xf32>
      %swap3A_142 = arith.index_cast %mul3A_134 : i32 to index
      %swap3A_143 = tpu.vector_load %arg7[%swap3A_142] {strides = array<i32>} : memref<512xf32, #tpu.memory_space<vmem>>, vector<16xf32>,
      %swap3A_144 = vector.shape_cast %swap3A_143 : vector<16xf32> to vector<16xf32>
      %swap3A_145 = vector.shape_cast %add3A_141 : vector<16xf32> to vector<16xf32>
      tpu.vector_store %arg7[%swap3A_142], %swap3A_145 {strides = array<i32>} : memref<512xf32, #tpu.memory_space<vmem>>, vector<16xf32>,
    }
    %scan3A_83 = arith.constant 32 : i32
    %add3A_84 = arith.constant 4 : i32
    %add3A_85 = arith.addi %mul3A_62, %add3A_84 : i32
    "tpu.region"() ({
      %run_scoped3A = tpu.sem_alloc : memref<!tpu.dma_semaphore, #tpu.memory_space<semaphore_mem>>
      %dma_start3A_128 = arith.constant 0 : i32
      %dma_start3A_129 = tpu.memref_slice %arg10[%add3A_85, %dma_start3A_128] : memref<16x512xf32, #tpu.memory_space<vmem_shared>> -> memref<1x512xf32, #tpu.memory_space<vmem_shared>>
      %dma_start3A_130 = tpu.memref_squeeze %dma_start3A_129 : memref<1x512xf32, #tpu.memory_space<vmem_shared>> -> memref<512xf32, #tpu.memory_space<vmem_shared>>
      %dma_start3A_131 = arith.constant 0 : i32
      %dma_start3A_132 = tpu.memref_slice %arg10[%add3A_85, %dma_start3A_131] : memref<16x512xf32, #tpu.memory_space<vmem_shared>> -> memref<1x512xf32, #tpu.memory_space<vmem_shared>>
      %dma_start3A_133 = tpu.memref_squeeze %dma_start3A_132 : memref<1x512xf32, #tpu.memory_space<vmem_shared>> -> memref<512xf32, #tpu.memory_space<vmem_shared>>
      tpu.enqueue_dma source(%dma_start3A_133 : memref<512xf32, #tpu.memory_space<vmem_shared>>) target(%arg6 : memref<512xf32, #tpu.memory_space<vmem>>) target_semaphore(%run_scoped3A : memref<!tpu.dma_semaphore, #tpu.memory_space<semaphore_mem>>)
      %dma_wait3A = arith.constant 0 : i32
      %dma_wait3A_134 = tpu.memref_slice %arg10[%add3A_85, %dma_wait3A] : memref<16x512xf32, #tpu.memory_space<vmem_shared>> -> memref<1x512xf32, #tpu.memory_space<vmem_shared>>
      %dma_wait3A_135 = tpu.memref_squeeze %dma_wait3A_134 : memref<1x512xf32, #tpu.memory_space<vmem_shared>> -> memref<512xf32, #tpu.memory_space<vmem_shared>>
      %dma_wait3A_136 = arith.constant 0 : i32
      %dma_wait3A_137 = tpu.memref_slice %arg10[%add3A_85, %dma_wait3A_136] : memref<16x512xf32, #tpu.memory_space<vmem_shared>> -> memref<1x512xf32, #tpu.memory_space<vmem_shared>>
      %dma_wait3A_138 = tpu.memref_squeeze %dma_wait3A_137 : memref<1x512xf32, #tpu.memory_space<vmem_shared>> -> memref<512xf32, #tpu.memory_space<vmem_shared>>
      tpu.wait_dma2 semaphore(%run_scoped3A : memref<!tpu.dma_semaphore, #tpu.memory_space<semaphore_mem>>) src(%dma_wait3A_138 : memref<512xf32, #tpu.memory_space<vmem_shared>>) dst(%arg6 : memref<512xf32, #tpu.memory_space<vmem>>)
      tpu.yield
    }) : () -> ()
    %scan3A_86 = arith.constant 0 : i32
    %scan3A_87 = arith.constant 32 : i32
    %scan3A_88 = arith.addi %scan3A_86, %scan3A_87 : i32
    %scan3A_89 = arith.constant 1 : i32
    scf.for %scan3A_128 = %scan3A_86 to %scan3A_88 step %scan3A_89  : i32 {
      %mul3A_129 = arith.constant 1 : i32
      %mul3A_130 = arith.muli %scan3A_128, %mul3A_129 : i32
      %add3A_131 = arith.constant 0 : i32
      %add3A_132 = arith.addi %add3A_131, %mul3A_130 : i32
      %mul3A_133 = arith.constant 16 : i32
      %mul3A_134 = arith.muli %add3A_132, %mul3A_133 : i32
      %get3A_135 = arith.index_cast %mul3A_134 : i32 to index
      %get3A_136 = tpu.vector_load %arg7[%get3A_135] {strides = array<i32>} : memref<512xf32, #tpu.memory_space<vmem>>, vector<16xf32>,
      %get3A_137 = vector.shape_cast %get3A_136 : vector<16xf32> to vector<16xf32>
      %get3A_138 = arith.index_cast %mul3A_134 : i32 to index
      %get3A_139 = tpu.vector_load %arg6[%get3A_138] {strides = array<i32>} : memref<512xf32, #tpu.memory_space<vmem>>, vector<16xf32>,
      %get3A_140 = vector.shape_cast %get3A_139 : vector<16xf32> to vector<16xf32>
      %add3A_141 = arith.addf %get3A_137, %get3A_140 : vector<16xf32>
      %swap3A_142 = arith.index_cast %mul3A_134 : i32 to index
      %swap3A_143 = tpu.vector_load %arg7[%swap3A_142] {strides = array<i32>} : memref<512xf32, #tpu.memory_space<vmem>>, vector<16xf32>,
      %swap3A_144 = vector.shape_cast %swap3A_143 : vector<16xf32> to vector<16xf32>
      %swap3A_145 = vector.shape_cast %add3A_141 : vector<16xf32> to vector<16xf32>
      tpu.vector_store %arg7[%swap3A_142], %swap3A_145 {strides = array<i32>} : memref<512xf32, #tpu.memory_space<vmem>>, vector<16xf32>,
    }
    %scan3A_90 = arith.constant 32 : i32
    %add3A_91 = arith.constant 5 : i32
    %add3A_92 = arith.addi %mul3A_62, %add3A_91 : i32
    "tpu.region"() ({
      %run_scoped3A = tpu.sem_alloc : memref<!tpu.dma_semaphore, #tpu.memory_space<semaphore_mem>>
      %dma_start3A_128 = arith.constant 0 : i32
      %dma_start3A_129 = tpu.memref_slice %arg10[%add3A_92, %dma_start3A_128] : memref<16x512xf32, #tpu.memory_space<vmem_shared>> -> memref<1x512xf32, #tpu.memory_space<vmem_shared>>
      %dma_start3A_130 = tpu.memref_squeeze %dma_start3A_129 : memref<1x512xf32, #tpu.memory_space<vmem_shared>> -> memref<512xf32, #tpu.memory_space<vmem_shared>>
      %dma_start3A_131 = arith.constant 0 : i32
      %dma_start3A_132 = tpu.memref_slice %arg10[%add3A_92, %dma_start3A_131] : memref<16x512xf32, #tpu.memory_space<vmem_shared>> -> memref<1x512xf32, #tpu.memory_space<vmem_shared>>
      %dma_start3A_133 = tpu.memref_squeeze %dma_start3A_132 : memref<1x512xf32, #tpu.memory_space<vmem_shared>> -> memref<512xf32, #tpu.memory_space<vmem_shared>>
      tpu.enqueue_dma source(%dma_start3A_133 : memref<512xf32, #tpu.memory_space<vmem_shared>>) target(%arg6 : memref<512xf32, #tpu.memory_space<vmem>>) target_semaphore(%run_scoped3A : memref<!tpu.dma_semaphore, #tpu.memory_space<semaphore_mem>>)
      %dma_wait3A = arith.constant 0 : i32
      %dma_wait3A_134 = tpu.memref_slice %arg10[%add3A_92, %dma_wait3A] : memref<16x512xf32, #tpu.memory_space<vmem_shared>> -> memref<1x512xf32, #tpu.memory_space<vmem_shared>>
      %dma_wait3A_135 = tpu.memref_squeeze %dma_wait3A_134 : memref<1x512xf32, #tpu.memory_space<vmem_shared>> -> memref<512xf32, #tpu.memory_space<vmem_shared>>
      %dma_wait3A_136 = arith.constant 0 : i32
      %dma_wait3A_137 = tpu.memref_slice %arg10[%add3A_92, %dma_wait3A_136] : memref<16x512xf32, #tpu.memory_space<vmem_shared>> -> memref<1x512xf32, #tpu.memory_space<vmem_shared>>
      %dma_wait3A_138 = tpu.memref_squeeze %dma_wait3A_137 : memref<1x512xf32, #tpu.memory_space<vmem_shared>> -> memref<512xf32, #tpu.memory_space<vmem_shared>>
      tpu.wait_dma2 semaphore(%run_scoped3A : memref<!tpu.dma_semaphore, #tpu.memory_space<semaphore_mem>>) src(%dma_wait3A_138 : memref<512xf32, #tpu.memory_space<vmem_shared>>) dst(%arg6 : memref<512xf32, #tpu.memory_space<vmem>>)
      tpu.yield
    }) : () -> ()
    %scan3A_93 = arith.constant 0 : i32
    %scan3A_94 = arith.constant 32 : i32
    %scan3A_95 = arith.addi %scan3A_93, %scan3A_94 : i32
    %scan3A_96 = arith.constant 1 : i32
    scf.for %scan3A_128 = %scan3A_93 to %scan3A_95 step %scan3A_96  : i32 {
      %mul3A_129 = arith.constant 1 : i32
      %mul3A_130 = arith.muli %scan3A_128, %mul3A_129 : i32
      %add3A_131 = arith.constant 0 : i32
      %add3A_132 = arith.addi %add3A_131, %mul3A_130 : i32
      %mul3A_133 = arith.constant 16 : i32
      %mul3A_134 = arith.muli %add3A_132, %mul3A_133 : i32
      %get3A_135 = arith.index_cast %mul3A_134 : i32 to index
      %get3A_136 = tpu.vector_load %arg7[%get3A_135] {strides = array<i32>} : memref<512xf32, #tpu.memory_space<vmem>>, vector<16xf32>,
      %get3A_137 = vector.shape_cast %get3A_136 : vector<16xf32> to vector<16xf32>
      %get3A_138 = arith.index_cast %mul3A_134 : i32 to index
      %get3A_139 = tpu.vector_load %arg6[%get3A_138] {strides = array<i32>} : memref<512xf32, #tpu.memory_space<vmem>>, vector<16xf32>,
      %get3A_140 = vector.shape_cast %get3A_139 : vector<16xf32> to vector<16xf32>
      %add3A_141 = arith.addf %get3A_137, %get3A_140 : vector<16xf32>
      %swap3A_142 = arith.index_cast %mul3A_134 : i32 to index
      %swap3A_143 = tpu.vector_load %arg7[%swap3A_142] {strides = array<i32>} : memref<512xf32, #tpu.memory_space<vmem>>, vector<16xf32>,
      %swap3A_144 = vector.shape_cast %swap3A_143 : vector<16xf32> to vector<16xf32>
      %swap3A_145 = vector.shape_cast %add3A_141 : vector<16xf32> to vector<16xf32>
      tpu.vector_store %arg7[%swap3A_142], %swap3A_145 {strides = array<i32>} : memref<512xf32, #tpu.memory_space<vmem>>, vector<16xf32>,
    }
    %scan3A_97 = arith.constant 32 : i32
    %add3A_98 = arith.constant 6 : i32
    %add3A_99 = arith.addi %mul3A_62, %add3A_98 : i32
    "tpu.region"() ({
      %run_scoped3A = tpu.sem_alloc : memref<!tpu.dma_semaphore, #tpu.memory_space<semaphore_mem>>
      %dma_start3A_128 = arith.constant 0 : i32
      %dma_start3A_129 = tpu.memref_slice %arg10[%add3A_99, %dma_start3A_128] : memref<16x512xf32, #tpu.memory_space<vmem_shared>> -> memref<1x512xf32, #tpu.memory_space<vmem_shared>>
      %dma_start3A_130 = tpu.memref_squeeze %dma_start3A_129 : memref<1x512xf32, #tpu.memory_space<vmem_shared>> -> memref<512xf32, #tpu.memory_space<vmem_shared>>
      %dma_start3A_131 = arith.constant 0 : i32
      %dma_start3A_132 = tpu.memref_slice %arg10[%add3A_99, %dma_start3A_131] : memref<16x512xf32, #tpu.memory_space<vmem_shared>> -> memref<1x512xf32, #tpu.memory_space<vmem_shared>>
      %dma_start3A_133 = tpu.memref_squeeze %dma_start3A_132 : memref<1x512xf32, #tpu.memory_space<vmem_shared>> -> memref<512xf32, #tpu.memory_space<vmem_shared>>
      tpu.enqueue_dma source(%dma_start3A_133 : memref<512xf32, #tpu.memory_space<vmem_shared>>) target(%arg6 : memref<512xf32, #tpu.memory_space<vmem>>) target_semaphore(%run_scoped3A : memref<!tpu.dma_semaphore, #tpu.memory_space<semaphore_mem>>)
      %dma_wait3A = arith.constant 0 : i32
      %dma_wait3A_134 = tpu.memref_slice %arg10[%add3A_99, %dma_wait3A] : memref<16x512xf32, #tpu.memory_space<vmem_shared>> -> memref<1x512xf32, #tpu.memory_space<vmem_shared>>
      %dma_wait3A_135 = tpu.memref_squeeze %dma_wait3A_134 : memref<1x512xf32, #tpu.memory_space<vmem_shared>> -> memref<512xf32, #tpu.memory_space<vmem_shared>>
      %dma_wait3A_136 = arith.constant 0 : i32
      %dma_wait3A_137 = tpu.memref_slice %arg10[%add3A_99, %dma_wait3A_136] : memref<16x512xf32, #tpu.memory_space<vmem_shared>> -> memref<1x512xf32, #tpu.memory_space<vmem_shared>>
      %dma_wait3A_138 = tpu.memref_squeeze %dma_wait3A_137 : memref<1x512xf32, #tpu.memory_space<vmem_shared>> -> memref<512xf32, #tpu.memory_space<vmem_shared>>
      tpu.wait_dma2 semaphore(%run_scoped3A : memref<!tpu.dma_semaphore, #tpu.memory_space<semaphore_mem>>) src(%dma_wait3A_138 : memref<512xf32, #tpu.memory_space<vmem_shared>>) dst(%arg6 : memref<512xf32, #tpu.memory_space<vmem>>)
      tpu.yield
    }) : () -> ()
    %scan3A_100 = arith.constant 0 : i32
    %scan3A_101 = arith.constant 32 : i32
    %scan3A_102 = arith.addi %scan3A_100, %scan3A_101 : i32
    %scan3A_103 = arith.constant 1 : i32
    scf.for %scan3A_128 = %scan3A_100 to %scan3A_102 step %scan3A_103  : i32 {
      %mul3A_129 = arith.constant 1 : i32
      %mul3A_130 = arith.muli %scan3A_128, %mul3A_129 : i32
      %add3A_131 = arith.constant 0 : i32
      %add3A_132 = arith.addi %add3A_131, %mul3A_130 : i32
      %mul3A_133 = arith.constant 16 : i32
      %mul3A_134 = arith.muli %add3A_132, %mul3A_133 : i32
      %get3A_135 = arith.index_cast %mul3A_134 : i32 to index
      %get3A_136 = tpu.vector_load %arg7[%get3A_135] {strides = array<i32>} : memref<512xf32, #tpu.memory_space<vmem>>, vector<16xf32>,
      %get3A_137 = vector.shape_cast %get3A_136 : vector<16xf32> to vector<16xf32>
      %get3A_138 = arith.index_cast %mul3A_134 : i32 to index
      %get3A_139 = tpu.vector_load %arg6[%get3A_138] {strides = array<i32>} : memref<512xf32, #tpu.memory_space<vmem>>, vector<16xf32>,
      %get3A_140 = vector.shape_cast %get3A_139 : vector<16xf32> to vector<16xf32>
      %add3A_141 = arith.addf %get3A_137, %get3A_140 : vector<16xf32>
      %swap3A_142 = arith.index_cast %mul3A_134 : i32 to index
      %swap3A_143 = tpu.vector_load %arg7[%swap3A_142] {strides = array<i32>} : memref<512xf32, #tpu.memory_space<vmem>>, vector<16xf32>,
      %swap3A_144 = vector.shape_cast %swap3A_143 : vector<16xf32> to vector<16xf32>
      %swap3A_145 = vector.shape_cast %add3A_141 : vector<16xf32> to vector<16xf32>
      tpu.vector_store %arg7[%swap3A_142], %swap3A_145 {strides = array<i32>} : memref<512xf32, #tpu.memory_space<vmem>>, vector<16xf32>,
    }
    %scan3A_104 = arith.constant 32 : i32
    %add3A_105 = arith.constant 7 : i32
    %add3A_106 = arith.addi %mul3A_62, %add3A_105 : i32
    "tpu.region"() ({
      %run_scoped3A = tpu.sem_alloc : memref<!tpu.dma_semaphore, #tpu.memory_space<semaphore_mem>>
      %dma_start3A_128 = arith.constant 0 : i32
      %dma_start3A_129 = tpu.memref_slice %arg10[%add3A_106, %dma_start3A_128] : memref<16x512xf32, #tpu.memory_space<vmem_shared>> -> memref<1x512xf32, #tpu.memory_space<vmem_shared>>
      %dma_start3A_130 = tpu.memref_squeeze %dma_start3A_129 : memref<1x512xf32, #tpu.memory_space<vmem_shared>> -> memref<512xf32, #tpu.memory_space<vmem_shared>>
      %dma_start3A_131 = arith.constant 0 : i32
      %dma_start3A_132 = tpu.memref_slice %arg10[%add3A_106, %dma_start3A_131] : memref<16x512xf32, #tpu.memory_space<vmem_shared>> -> memref<1x512xf32, #tpu.memory_space<vmem_shared>>
      %dma_start3A_133 = tpu.memref_squeeze %dma_start3A_132 : memref<1x512xf32, #tpu.memory_space<vmem_shared>> -> memref<512xf32, #tpu.memory_space<vmem_shared>>
      tpu.enqueue_dma source(%dma_start3A_133 : memref<512xf32, #tpu.memory_space<vmem_shared>>) target(%arg6 : memref<512xf32, #tpu.memory_space<vmem>>) target_semaphore(%run_scoped3A : memref<!tpu.dma_semaphore, #tpu.memory_space<semaphore_mem>>)
      %dma_wait3A = arith.constant 0 : i32
      %dma_wait3A_134 = tpu.memref_slice %arg10[%add3A_106, %dma_wait3A] : memref<16x512xf32, #tpu.memory_space<vmem_shared>> -> memref<1x512xf32, #tpu.memory_space<vmem_shared>>
      %dma_wait3A_135 = tpu.memref_squeeze %dma_wait3A_134 : memref<1x512xf32, #tpu.memory_space<vmem_shared>> -> memref<512xf32, #tpu.memory_space<vmem_shared>>
      %dma_wait3A_136 = arith.constant 0 : i32
      %dma_wait3A_137 = tpu.memref_slice %arg10[%add3A_106, %dma_wait3A_136] : memref<16x512xf32, #tpu.memory_space<vmem_shared>> -> memref<1x512xf32, #tpu.memory_space<vmem_shared>>
      %dma_wait3A_138 = tpu.memref_squeeze %dma_wait3A_137 : memref<1x512xf32, #tpu.memory_space<vmem_shared>> -> memref<512xf32, #tpu.memory_space<vmem_shared>>
      tpu.wait_dma2 semaphore(%run_scoped3A : memref<!tpu.dma_semaphore, #tpu.memory_space<semaphore_mem>>) src(%dma_wait3A_138 : memref<512xf32, #tpu.memory_space<vmem_shared>>) dst(%arg6 : memref<512xf32, #tpu.memory_space<vmem>>)
      tpu.yield
    }) : () -> ()
    %scan3A_107 = arith.constant 0 : i32
    %scan3A_108 = arith.constant 32 : i32
    %scan3A_109 = arith.addi %scan3A_107, %scan3A_108 : i32
    %scan3A_110 = arith.constant 1 : i32
    scf.for %scan3A_128 = %scan3A_107 to %scan3A_109 step %scan3A_110  : i32 {
      %mul3A_129 = arith.constant 1 : i32
      %mul3A_130 = arith.muli %scan3A_128, %mul3A_129 : i32
      %add3A_131 = arith.constant 0 : i32
      %add3A_132 = arith.addi %add3A_131, %mul3A_130 : i32
      %mul3A_133 = arith.constant 16 : i32
      %mul3A_134 = arith.muli %add3A_132, %mul3A_133 : i32
      %get3A_135 = arith.index_cast %mul3A_134 : i32 to index
      %get3A_136 = tpu.vector_load %arg7[%get3A_135] {strides = array<i32>} : memref<512xf32, #tpu.memory_space<vmem>>, vector<16xf32>,
      %get3A_137 = vector.shape_cast %get3A_136 : vector<16xf32> to vector<16xf32>
      %get3A_138 = arith.index_cast %mul3A_134 : i32 to index
      %get3A_139 = tpu.vector_load %arg6[%get3A_138] {strides = array<i32>} : memref<512xf32, #tpu.memory_space<vmem>>, vector<16xf32>,
      %get3A_140 = vector.shape_cast %get3A_139 : vector<16xf32> to vector<16xf32>
      %add3A_141 = arith.addf %get3A_137, %get3A_140 : vector<16xf32>
      %swap3A_142 = arith.index_cast %mul3A_134 : i32 to index
      %swap3A_143 = tpu.vector_load %arg7[%swap3A_142] {strides = array<i32>} : memref<512xf32, #tpu.memory_space<vmem>>, vector<16xf32>,
      %swap3A_144 = vector.shape_cast %swap3A_143 : vector<16xf32> to vector<16xf32>
      %swap3A_145 = vector.shape_cast %add3A_141 : vector<16xf32> to vector<16xf32>
      tpu.vector_store %arg7[%swap3A_142], %swap3A_145 {strides = array<i32>} : memref<512xf32, #tpu.memory_space<vmem>>, vector<16xf32>,
    }
    %scan3A_111 = arith.constant 32 : i32
    %scan3A_112 = arith.constant 0 : i32
    %scan3A_113 = arith.constant 32 : i32
    %scan3A_114 = arith.addi %scan3A_112, %scan3A_113 : i32
    %scan3A_115 = arith.constant 1 : i32
    %scan3A_116 = scf.for %scan3A_128 = %scan3A_112 to %scan3A_114 step %scan3A_115 iter_args(%scan3A_129 = %broadcast_in_dim3A_3) -> (vector<16xf32>)  : i32 {
      %mul3A_130 = arith.constant 16 : i32
      %mul3A_131 = arith.muli %scan3A_128, %mul3A_130 : i32
      %get3A_132 = arith.index_cast %mul3A_131 : i32 to index
      %get3A_133 = tpu.vector_load %arg5[%get3A_132] {strides = array<i32>} : memref<512xf32, #tpu.memory_space<vmem>>, vector<16xf32>,
      %get3A_134 = vector.shape_cast %get3A_133 : vector<16xf32> to vector<16xf32>
      %get3A_135 = arith.index_cast %mul3A_131 : i32 to index
      %get3A_136 = tpu.vector_load %arg7[%get3A_135] {strides = array<i32>} : memref<512xf32, #tpu.memory_space<vmem>>, vector<16xf32>,
      %get3A_137 = vector.shape_cast %get3A_136 : vector<16xf32> to vector<16xf32>
      %mul3A_138 = arith.mulf %get3A_134, %get3A_137 : vector<16xf32>
      %add3A_139 = arith.addf %scan3A_129, %mul3A_138 : vector<16xf32>
      scf.yield %add3A_139 : vector<16xf32>
    }
    %scan3A_117 = arith.constant 32 : i32
    %get3A = arith.constant 0 : index
    %get3A_118 = tpu.vector_load %arg8[%get3A] {strides = array<i32>} : memref<16xf32, #tpu.memory_space<vmem>>, vector<16xf32>,
    %get3A_119 = vector.shape_cast %get3A_118 : vector<16xf32> to vector<16xf32>
    %mul3A_120 = arith.constant 4.8828125E-4 : f32
    %mul3A_121 = vector.broadcast %mul3A_120 : f32 to vector<16xf32>
    %mul3A_122 = arith.mulf %scan3A_116, %mul3A_121 : vector<16xf32>
    %sub3A_123 = arith.subf %get3A_119, %mul3A_122 : vector<16xf32>
    %swap3A_124 = arith.constant 0 : index
    %swap3A_125 = tpu.vector_load %arg9[%swap3A_124] {strides = array<i32>} : memref<16xf32, #tpu.memory_space<vmem>>, vector<16xf32>,
    %swap3A_126 = vector.shape_cast %swap3A_125 : vector<16xf32> to vector<16xf32>
    %swap3A_127 = vector.shape_cast %sub3A_123 : vector<16xf32> to vector<16xf32>
    tpu.vector_store %arg9[%swap3A_124], %swap3A_127 {strides = array<i32>} : memref<16xf32, #tpu.memory_space<vmem>>, vector<16xf32>,
    "tpu.region"() ({
      %run_scoped3A = tpu.sem_alloc : memref<!tpu.dma_semaphore, #tpu.memory_space<semaphore_mem>>
      %dma_start3A_128 = arith.constant 0 : i32
      %dma_start3A_129 = tpu.memref_slice %arg3[%add3A, %dma_start3A_128] : memref<32x16xf32, #tpu.memory_space<hbm>> -> memref<1x16xf32, #tpu.memory_space<hbm>>
      %dma_start3A_130 = tpu.memref_squeeze %dma_start3A_129 : memref<1x16xf32, #tpu.memory_space<hbm>> -> memref<16xf32, #tpu.memory_space<hbm>>
      %dma_start3A_131 = arith.constant 0 : i32
      %dma_start3A_132 = tpu.memref_slice %arg3[%add3A, %dma_start3A_131] : memref<32x16xf32, #tpu.memory_space<hbm>> -> memref<1x16xf32, #tpu.memory_space<hbm>>
      %dma_start3A_133 = tpu.memref_squeeze %dma_start3A_132 : memref<1x16xf32, #tpu.memory_space<hbm>> -> memref<16xf32, #tpu.memory_space<hbm>>
      tpu.enqueue_dma source(%arg9 : memref<16xf32, #tpu.memory_space<vmem>>) target(%dma_start3A_133 : memref<16xf32, #tpu.memory_space<hbm>>) target_semaphore(%run_scoped3A : memref<!tpu.dma_semaphore, #tpu.memory_space<semaphore_mem>>)
      %dma_wait3A = arith.constant 0 : i32
      %dma_wait3A_134 = tpu.memref_slice %arg3[%add3A, %dma_wait3A] : memref<32x16xf32, #tpu.memory_space<hbm>> -> memref<1x16xf32, #tpu.memory_space<hbm>>
      %dma_wait3A_135 = tpu.memref_squeeze %dma_wait3A_134 : memref<1x16xf32, #tpu.memory_space<hbm>> -> memref<16xf32, #tpu.memory_space<hbm>>
      %dma_wait3A_136 = arith.constant 0 : i32
      %dma_wait3A_137 = tpu.memref_slice %arg3[%add3A, %dma_wait3A_136] : memref<32x16xf32, #tpu.memory_space<hbm>> -> memref<1x16xf32, #tpu.memory_space<hbm>>
      %dma_wait3A_138 = tpu.memref_squeeze %dma_wait3A_137 : memref<1x16xf32, #tpu.memory_space<hbm>> -> memref<16xf32, #tpu.memory_space<hbm>>
      tpu.wait_dma2 semaphore(%run_scoped3A : memref<!tpu.dma_semaphore, #tpu.memory_space<semaphore_mem>>) src(%arg9 : memref<16xf32, #tpu.memory_space<vmem>>) dst(%dma_wait3A_138 : memref<16xf32, #tpu.memory_space<hbm>>)
      tpu.yield
    }) : () -> ()
    return
  }
}

module attributes {stable_mosaic.version = 14 : i64} {
  func.func @_tc_body(%arg0: i32, %arg1: memref<2048x512xf32, #tpu.memory_space<vmem>>, %arg2: memref<1x128xf32, #tpu.memory_space<vmem>>, %arg3: memref<1x512xf32, #tpu.memory_space<vmem>>, %arg4: memref<1x512xf32, #tpu.memory_space<vmem>>) attributes {dimension_semantics = [#tpu.dimension_semantics<arbitrary>], iteration_bounds = array<i64: 12>, scalar_prefetch = 0 : i64, scratch_operands = 2 : i64, tpu.core_type = #tpu.core_type<tc>, window_params = [{transform_indices = @transform_0, window_bounds = array<i64: 2048, 512>}, {pipeline_mode = #tpu.pipeline_mode<synchronous>, transform_indices = @transform_1, window_bounds = array<i64: 1, 128>}]} {
    %get3A = arith.constant 0 : index
    %get3A_0 = arith.constant 0 : index
    %get3A_1 = vector.load %arg1[%get3A, %get3A_0] : memref<2048x512xf32, #tpu.memory_space<vmem>>, vector<2048x512xf32>
    %reduce_sum3A = arith.constant dense<0.000000e+00> : vector<512xf32>
    %reduce_sum3A_2 = vector.multi_reduction <add>, %get3A_1, %reduce_sum3A [0] : vector<2048x512xf32> to vector<512xf32>
    %broadcast_in_dim3A = vector.shape_cast %reduce_sum3A_2 : vector<512xf32> to vector<1x512xf32>
    %mul3A = arith.mulf %get3A_1, %get3A_1 : vector<2048x512xf32>
    %reduce_sum3A_3 = arith.constant dense<0.000000e+00> : vector<512xf32>
    %reduce_sum3A_4 = vector.multi_reduction <add>, %mul3A, %reduce_sum3A_3 [0] : vector<2048x512xf32> to vector<512xf32>
    %broadcast_in_dim3A_5 = vector.shape_cast %reduce_sum3A_4 : vector<512xf32> to vector<1x512xf32>
    %eq3A = arith.constant 0 : i32
    %eq3A_6 = arith.cmpi eq, %arg0, %eq3A : i32
    %convert_element_type3A = arith.extui %eq3A_6 : i1 to i32
    %cond3A = arith.constant 0 : i32
    %cond3A_7 = arith.cmpi ne, %convert_element_type3A, %cond3A : i32
    scf.if %cond3A_7 {
      %swap3A = arith.constant 0 : index
      %swap3A_17 = arith.constant 0 : index
      %swap3A_18 = vector.load %arg3[%swap3A, %swap3A_17] : memref<1x512xf32, #tpu.memory_space<vmem>>, vector<1x512xf32>
      tpu.vector_store %arg3[%swap3A, %swap3A_17], %broadcast_in_dim3A_5 {strides = array<i32>} : memref<1x512xf32, #tpu.memory_space<vmem>>, vector<1x512xf32>,
      %mul3A_19 = arith.mulf %broadcast_in_dim3A, %broadcast_in_dim3A : vector<1x512xf32>
      %swap3A_20 = arith.constant 0 : index
      %swap3A_21 = arith.constant 0 : index
      %swap3A_22 = vector.load %arg4[%swap3A_20, %swap3A_21] : memref<1x512xf32, #tpu.memory_space<vmem>>, vector<1x512xf32>
      tpu.vector_store %arg4[%swap3A_20, %swap3A_21], %mul3A_19 {strides = array<i32>} : memref<1x512xf32, #tpu.memory_space<vmem>>, vector<1x512xf32>,
    } else {
    }
    %ne3A = arith.constant 0 : i32
    %ne3A_8 = arith.cmpi ne, %arg0, %ne3A : i32
    %convert_element_type3A_9 = arith.extui %ne3A_8 : i1 to i32
    %cond3A_10 = arith.constant 0 : i32
    %cond3A_11 = arith.cmpi ne, %convert_element_type3A_9, %cond3A_10 : i32
    scf.if %cond3A_11 {
      %get3A_17 = arith.constant 0 : index
      %get3A_18 = arith.constant 0 : index
      %get3A_19 = vector.load %arg3[%get3A_17, %get3A_18] : memref<1x512xf32, #tpu.memory_space<vmem>>, vector<1x512xf32>
      %add3A = arith.addf %get3A_19, %broadcast_in_dim3A_5 : vector<1x512xf32>
      %swap3A = arith.constant 0 : index
      %swap3A_20 = arith.constant 0 : index
      %swap3A_21 = vector.load %arg3[%swap3A, %swap3A_20] : memref<1x512xf32, #tpu.memory_space<vmem>>, vector<1x512xf32>
      tpu.vector_store %arg3[%swap3A, %swap3A_20], %add3A {strides = array<i32>} : memref<1x512xf32, #tpu.memory_space<vmem>>, vector<1x512xf32>,
      %get3A_22 = arith.constant 0 : index
      %get3A_23 = arith.constant 0 : index
      %get3A_24 = vector.load %arg4[%get3A_22, %get3A_23] : memref<1x512xf32, #tpu.memory_space<vmem>>, vector<1x512xf32>
      %mul3A_25 = arith.mulf %broadcast_in_dim3A, %broadcast_in_dim3A : vector<1x512xf32>
      %add3A_26 = arith.addf %get3A_24, %mul3A_25 : vector<1x512xf32>
      %swap3A_27 = arith.constant 0 : index
      %swap3A_28 = arith.constant 0 : index
      %swap3A_29 = vector.load %arg4[%swap3A_27, %swap3A_28] : memref<1x512xf32, #tpu.memory_space<vmem>>, vector<1x512xf32>
      tpu.vector_store %arg4[%swap3A_27, %swap3A_28], %add3A_26 {strides = array<i32>} : memref<1x512xf32, #tpu.memory_space<vmem>>, vector<1x512xf32>,
    } else {
    }
    %eq3A_12 = arith.constant 11 : i32
    %eq3A_13 = arith.cmpi eq, %arg0, %eq3A_12 : i32
    %convert_element_type3A_14 = arith.extui %eq3A_13 : i1 to i32
    %cond3A_15 = arith.constant 0 : i32
    %cond3A_16 = arith.cmpi ne, %convert_element_type3A_14, %cond3A_15 : i32
    scf.if %cond3A_16 {
      %get3A_17 = arith.constant 0 : index
      %get3A_18 = arith.constant 0 : index
      %get3A_19 = vector.load %arg3[%get3A_17, %get3A_18] : memref<1x512xf32, #tpu.memory_space<vmem>>, vector<1x512xf32>
      %get3A_20 = arith.constant 0 : index
      %get3A_21 = arith.constant 0 : index
      %get3A_22 = vector.load %arg4[%get3A_20, %get3A_21] : memref<1x512xf32, #tpu.memory_space<vmem>>, vector<1x512xf32>
      %mul3A_23 = arith.constant 4.8828125E-4 : f32
      %mul3A_24 = vector.broadcast %mul3A_23 : f32 to vector<1x512xf32>
      %mul3A_25 = arith.mulf %get3A_22, %mul3A_24 : vector<1x512xf32>
      %sub3A = arith.subf %get3A_19, %mul3A_25 : vector<1x512xf32>
      %reduce_sum3A_26 = vector.shape_cast %sub3A : vector<1x512xf32> to vector<1x1x512xf32>
      %reduce_sum3A_27 = arith.constant dense<0.000000e+00> : vector<1xf32>
      %reduce_sum3A_28 = vector.multi_reduction <add>, %reduce_sum3A_26, %reduce_sum3A_27 [1, 2] : vector<1x1x512xf32> to vector<1xf32>
      %reduce_sum3A_29 = vector.shape_cast %reduce_sum3A_28 : vector<1xf32> to vector<1x1x1xf32>
      %reduce_sum3A_30 = vector.extract %reduce_sum3A_29[0, 0, 0] : f32 from vector<1x1x1xf32>
      %broadcast_in_dim3A_31 = vector.broadcast %reduce_sum3A_30 : f32 to vector<1x128xf32>
      %swap3A = arith.constant 0 : index
      %swap3A_32 = arith.constant 0 : index
      %swap3A_33 = vector.load %arg2[%swap3A, %swap3A_32] : memref<1x128xf32, #tpu.memory_space<vmem>>, vector<1x128xf32>
      tpu.vector_store %arg2[%swap3A, %swap3A_32], %broadcast_in_dim3A_31 {strides = array<i32>} : memref<1x128xf32, #tpu.memory_space<vmem>>, vector<1x128xf32>,
    } else {
    }
    return
  }
  func.func @transform_0(%arg0: i32) -> (i32, i32) {
    %add3A = arith.constant 4 : i32
    %add3A_0 = arith.addi %arg0, %add3A : i32
    %c0_i32 = arith.constant 0 : i32
    %c0_i32_1 = arith.constant 0 : i32
    return %add3A_0, %c0_i32 : i32, i32
  }
  func.func @transform_1(%arg0: i32) -> (i32, i32) {
    %c0_i32 = arith.constant 0 : i32
    %c0_i32_0 = arith.constant 0 : i32
    %c0_i32_1 = arith.constant 0 : i32
    return %c0_i32, %c0_i32_0 : i32, i32
  }
}

</mosaic_0001>

<sc_bundles>
// kernel: kernel.4.cloned.1.call-start
scs
__scs_entry_jumppad:
0x0: {  	(pc) =	sbr.rel $0x88, $3  }
0x1: {  	(tag) =	ssettag $0x0;
	lr =	simm.s32 $0x1  }
0x2: {  	[smem:$0x3FA0] =	sst lr;
	_ =	strace $0xD0000000  }
0x3: {  	_ = 	snop  }
0x4: {  	_ = 	snop  }
0x5: {  	_ = 	snop  }
0x6: {  	_ = 	snop  }
0x7: {  	_ = 	snop  }
__scs_overlays_trampoline_lowered:
0x8: {  	[smem:$0x3FAF] =	sst s0  }
0x9: {  	[smem:$0x3FB0] =	sst s1  }
0xa: {  	[smem:$0x3FB1] =	sst s2  }
0xb: {  	[smem:$0x3FB2] =	sst s3  }
0xc: {  	[smem:$0x3FB3] =	sst s4  }
0xd: {  	[smem:$0x3FB4] =	sst s5  }
0xe: {  	[smem:$0x3FB5] =	sst s6  }
0xf: {  	[smem:$0x3FB6] =	sst s7  }
0x10: {  	[smem:$0x3FB7] =	sst s8  }
0x11: {  	[smem:$0x3FB8] =	sst s9;
	s0 =	simm.s32 @!p0 $0x0  }
0x12: {  	s1 =	sld [smem:$0x3F9E];
	s0 =	simm.s32 @p0 $0x1  }
0x13: {  	[smem:$0x3FB9] =	sst s0;
	s0 =	simm.s32 @!p1 $0x0  }
0x14: {  	s2 =	sld [smem:$0x3F9D];
	s0 =	simm.s32 @p1 $0x1  }
0x15: {  	[smem:$0x3FBA] =	sst s0;
	s0 =	simm.s32 @!p2 $0x0  }
0x16: {  	s3 =	sld [smem:$0x3FDB];
	s0 =	simm.s32 @p2 $0x1  }
0x17: {  	s4 =	simm.s32 $0x1BF5;
	[smem:$0x3FBC] =	sst s0  }
0x18: {  	s0 =	sld [smem:$0x3F9F];
	_ =	swait.ge [sflag:s4], $0x0  }
0x19: {  	s7 =	sld [smem:$0x3FA0]  }
0x1a: {  	s8 =	sadd.s32 $0xFFFFE003, lr  }
0x1b: {  	s9 =	sadd.s32 $0xFFFFFEF7, lr;
	s5 =	simm.s32 $0xFFFFFFFF;
	p2 =	slt.u32 s8, $0xFFFFF086  }
0x1c: {  	p1 =	slt.u32 s9, $0xF7A;
	s5 =	simm.s32 @!p2 $0x0  }
0x1d: {  	s5 =	simm.s32 @p1 $0x1;
	p0 =	seq.s32 s7, s2  }
0x1e: {  	s7 =	smul.u32 @!p0 $0xF7A, s2;
	p2 =	seq.s32 @!p0 s5, $0x0  }
0x1f: {  	s9 =	smul.u32 $0xF7A, s1;
	s8 =	simm.s32 @!p0 $0x1BF5;
	p2 =	por !p2, p0  }
0x20: {  	[sflag:s8] =	ssyncset.s32 @!p0 $0xFFFFF086;
	s6 =	sadd.s32 @!p0 s3, s7;
	s7 =	simm.s32 @!p0 $0x108  }
0x21: {  	s3 =	sadd.s32 s3, s9;
	s6 =	sadd.s32 @!p0 $0x88, s6;
	s7 =	simm.s32 @p2 $0x1082  }
0x22: {  	[simem:s7], [sflag:s8] =	dma.local @!p0 [hbm:s6], $0xF7A  }
0x23: {  	s9 =	sor.u32 $0xD0000000, s2;
	s6 =	simm.s32 $0x108;
	_ =	swait.ge @!p0 [sflag:s8], $0x0  }
0x24: {  	s3 =	sadd.s32 $0x88, s3;
	s6 =	simm.s32 @!p1 $0x1082;
	[sflag:s4] =	ssyncset.s32 $0xFFFFF086  }
0x25: {  	[simem:s6], [sflag:s4] =	dma.local [hbm:s3], $0xF7A  }
0x26: {  	[smem:$0x3FA0] =	sst s1;
	(tag) =	ssettag s2;
	_ =	strace s9  }
0x27: {  	s1 =	sld [smem:$0x3FB0]  }
0x28: {  	s2 =	sld [smem:$0x3FB1]  }
0x29: {  	s4 =	sld [smem:$0x3FB3]  }
0x2a: {  	p0 =	seq.s32 s5, $0x0;
	s5 =	sld [smem:$0x3FB4]  }
0x2b: {  	s6 =	sld [smem:$0x3FB5]  }
0x2c: {  	s7 =	sld [smem:$0x3FB6]  }
0x2d: {  	s3 =	simm.s32 $0x108;
	s8 =	sld [smem:$0x3FB7]  }
0x2e: {  	s3 =	simm.s32 @!p0 $0x1082;
	s9 =	sld [smem:$0x3FB8]  }
0x2f: {  	lr =	sadd.s32 s0, s3;
	s0 =	sld [smem:$0x3FAF]  }
0x30: {  	s3 =	sld [smem:$0x3FB2]  }
0x31: {  	[smem:$0x3FBB] =	sst s10  }
0x32: {  	s10 =	sld [smem:$0x3FB9];
	_ =	sdelay $0x3  }
0x33: {  	p0 =	seq.s32 s10, $0x1;
	s10 =	sld [smem:$0x3FBB];
	_ =	sdelay $0x3  }
0x34: {  	[smem:$0x3FBB] =	sst s10  }
0x35: {  	s10 =	sld [smem:$0x3FBA];
	_ =	sdelay $0x3  }
0x36: {  	p1 =	seq.s32 s10, $0x1;
	s10 =	sld [smem:$0x3FBB];
	_ =	sdelay $0x3  }
0x37: {  	[smem:$0x3FBB] =	sst s10  }
0x38: {  	s10 =	sld [smem:$0x3FBC]  }
0x39: {  	_ = 	snop;
	(pc) =	sbr.ind lr, $3  }
0x3a: {  	_ = 	snop  }
0x3b: {  	_ = 	snop  }
0x3c: {  	p2 =	seq.s32 s10, $0x1;
	s10 =	sld [smem:$0x3FBB]  }
0x3d: {  	_ =	shalt  }
0x3e: {  	_ =	shalt  }
0x3f: {  	_ =	shalt  }
0x40: {  	_ =	shalt  }
0x41: {  	_ =	shalt  }
0x42: {  	_ =	shalt  }
0x43: {  	_ =	shalt  }
0x44: {  	_ =	shalt  }
0x45: {  	_ =	shalt  }
0x46: {  	_ =	shalt  }
0x47: {  	_ =	shalt  }
0x48: {  	_ =	shalt  }
0x49: {  	_ =	shalt  }
0x4a: {  	_ =	shalt  }
0x4b: {  	_ =	shalt  }
0x4c: {  	_ =	shalt  }
0x4d: {  	_ =	shalt  }
0x4e: {  	_ =	shalt  }
0x4f: {  	_ =	shalt  }
0x50: {  	_ =	shalt  }
0x51: {  	_ =	shalt  }
0x52: {  	_ =	shalt  }
0x53: {  	_ =	shalt  }
0x54: {  	_ =	shalt  }
0x55: {  	_ =	shalt  }
0x56: {  	_ =	shalt  }
0x57: {  	_ =	shalt  }
0x58: {  	_ =	shalt  }
0x59: {  	_ =	shalt  }
0x5a: {  	_ =	shalt  }
0x5b: {  	_ =	shalt  }
0x5c: {  	_ =	shalt  }
0x5d: {  	_ =	shalt  }
0x5e: {  	_ =	shalt  }
0x5f: {  	_ =	shalt  }
0x60: {  	_ =	shalt  }
0x61: {  	_ =	shalt  }
0x62: {  	_ =	shalt  }
0x63: {  	_ =	shalt  }
0x64: {  	_ =	shalt  }
0x65: {  	_ =	shalt  }
0x66: {  	_ =	shalt  }
0x67: {  	_ =	shalt  }
0x68: {  	_ =	shalt  }
0x69: {  	_ =	shalt  }
0x6a: {  	_ =	shalt  }
0x6b: {  	_ =	shalt  }
0x6c: {  	_ =	shalt  }
0x6d: {  	_ =	shalt  }
0x6e: {  	_ =	shalt  }
0x6f: {  	_ =	shalt  }
0x70: {  	_ =	shalt  }
0x71: {  	_ =	shalt  }
0x72: {  	_ =	shalt  }
0x73: {  	_ =	shalt  }
0x74: {  	_ =	shalt  }
0x75: {  	_ =	shalt  }
0x76: {  	_ =	shalt  }
0x77: {  	_ =	shalt  }
0x78: {  	_ =	shalt  }
0x79: {  	_ =	shalt  }
0x7a: {  	_ =	shalt  }
0x7b: {  	_ =	shalt  }
0x7c: {  	_ =	shalt  }
0x7d: {  	_ =	shalt  }
0x7e: {  	_ =	shalt  }
0x7f: {  	_ =	shalt  }
0x80: {  	_ =	shalt  }
0x81: {  	_ =	shalt  }
0x82: {  	_ =	shalt  }
0x83: {  	_ =	shalt  }
0x84: {  	_ =	shalt  }
0x85: {  	_ =	shalt  }
0x86: {  	_ =	shalt  }
0x87: {  	_ =	shalt  }
.Lfunc_end0:
.L_simem_size_0:
called_computation_lowered:
.L_overlay_start_0:
0x88: {  	s2 =	sld [smem:$0x3FD9]  }
0x89: {  	s3 =	sld [smem:$0x3FFE];
	_ =	sdelay $0x1  }
0x8a: {  	s1 =	srdreg.scid  }
0x8b: {  	s0 =	sand.u32 $0x1, s1  }
0x8c: {  	s17 =	sshll.u32 s0, $0xA;
	s2 =	sadd.s32 s3, s2  }
0x8d: {  	s2 =	sadd.s32 s2, s17  }
0x8e: {  	[smem:$0x3FC7] =	sst s2  }
0x8f: {  	_ = 	snop  }
0x90: {  	s2 =	sld [smem:$0x3FC9];
	(tm) =	ssettm $0x1  }
0x91: {  	s18 =	sld [smem:$0x3FFB];
	_ =	sdelay $0x3  }
0x92: {  	_ =	strace s18  }
0x93: {  	s3 =	sld [smem:$0x3FFC];
	_ =	sdelay $0x3  }
0x94: {  	_ =	strace s3  }
0x95: {  	s3 =	sld [smem:$0x3FFD];
	_ =	sdelay $0x3  }
0x96: {  	_ =	strace s3  }
0x97: {  	_ =	strace $0x8FFFFFFF  }
0x98: {  	s19 =	sld [smem:$0x3FDB];
	_ =	sdelay $0x1  }
0x99: {  	s4 =	simm.s32 $_scs_section_size  }
0x9a: {  	s5 =	simm.s32 $_size__tile_overlayer_lowered;
	s6 =	simm.s32 $_tile_overlayer_lowered  }
0x9b: {  	s22 =	simm.s32 $0x1BFF;
	s21 =	sshll.u32 s6, $0x1;
	s3 =	sadd.s32 s4, s19  }
0x9c: {  	s7 =	simm.s32 $0x0;
	s20 =	sshll.u32 s5, $0x1;
	s5 =	sadd.s32 s21, s3  }
0x9d: {  	[timem:s7], [sflag:s22] =	dma.local [hbm:s5], s20  }
0x9e: {  	_ =	swait.ge [sflag:s22], s20  }
0x9f: {  	s4 =	ssub.s32 $0x0, s20;
	[sflag:s22] =	ssyncset.done $0x0  }
0xa0: {  	[sflag:s22] =	ssyncadd.s32 s4;
	_ =	sdelay $0x1  }
0xa1: {  	s23 =	simm.s32 $0x1B8B  }
0xa2: {  	_ =	swait.ge [sflag:s23], $0x1  }
0xa3: {  	[sflag:s23] =	ssyncset.done $0x0  }
0xa4: {  	s25 =	simm.s32 $0x1B8E;
	s24 =	sld [smem:$0x3FFE];
	[sflag:s23] =	ssyncadd.s32 $0xFFFFFFFF  }
0xa5: {  	s26 =	simm.s32 $execute0_lowered;
	[smem:$0x3FD2] =	sst s25  }
0xa6: {  	s5 =	sshll.u32 s26, $0x1;
	_ =	strace $0x80000046;
	[dreg:$0x1] =	wrdreg $0xFFFFFFFF  }
0xa7: {  	s28 =	simm.s32 $_size_execute0_lowered;
	s3 =	sadd.s32 s3, s5;
	[dreg:$0x0] =	wrdreg $0x0  }
0xa8: {  	s5 =	sshll.u32 s28, $0x1;
	[dreg:$0x2] =	wrdreg s3  }
0xa9: {  	[dreg:$0x3] =	wrdreg s5  }
0xaa: {  	[dreg:$0x4] =	wrdreg $0xC0  }
0xab: {  	_ =	task [dreg:s7], $0x5FFFF  }
0xac: {  	[dreg:$0x1] =	wrdreg $0xFFFFFFFF  }
0xad: {  	[dreg:$0x0] =	wrdreg $0x60  }
0xae: {  	[dreg:$0x2] =	wrdreg s2  }
0xaf: {  	[dreg:$0x3] =	wrdreg s24  }
0xb0: {  	[dreg:$0x4] =	wrdreg $0x107000  }
0xb1: {  	[dreg:$0x5] =	wrdreg $0x9  }
0xb2: {  	_ =	task.clear_ibuf [dreg:s7], $0x6FFFF;
	_ =	strace $0x90000046  }
0xb3: {  	s29 =	simm.s32 $0x9;
	_ =	strace $0x80000048  }
0xb4: {  	_ =	swait.ge [sflag:s29], $0x1  }
0xb5: {  	[sflag:s29] =	ssyncadd.s32 $0xFFFFFFFF  }
0xb6: {  	_ =	strace $0x90000048  }
0xb7: {  	_ =	sfence  }
0xb8: {  	s30 =	sld [smem:$0x0];
	_ =	sdelay $0x2  }
0xb9: {  	s31 =	sshll.u32 s1, $0xD;
	s1 =	sshrl.u32 s1, $0x2  }
0xba: {  	s3 =	sand.u32 $0x4000, s31;
	s1 =	sadd.s32 s1, s30  }
0xbb: {  	s0 =	sor.u32 s3, s0;
	s1 =	sshll.u32 s1, $0x11  }
0xbc: {  	s0 =	sor.u32 s1, s0  }
0xbd: {  	s0 =	sadd.s32 $0x8F2B, s0  }
0xbe: {  	[sflag:s0] =	ssyncadd.remote.s32 $0x1  }
0xbf: {  	_ =	sfence.sel $0xFFFF  }
0xc0: {  	[dreg:$0x0] =	wrdreg $0xFFFFFFFF;
	(pc) =	sbr.abs _section_cstart, $3  }
0xc1: {  	[dreg:$0x1] =	wrdreg $0xFFFFFFFF  }
0xc2: {  	_ =	task.clear_ibuf [dreg:s7], $0x2FFFF;
	_ =	strace $0x9FFFFFFF  }
0xc3: {  	(tm) =	ssettm $0x7FFFFFFF  }
tec
execute0_lowered:
.L_overlay_start_1:
0x0: {  	(tag) =	ssettag $0x1  }
0x1: {  	s0 =	rddreg [dreg:$0x0]  }
0x2: {  	s1 =	rddreg [dreg:$0x1];
	s2 =	srdreg.scid  }
0x3: {  	s7 =	rddreg [dreg:$0x2];
	s9 =	stileid.u32  }
0x4: {  	s18 =	simm.s32 $0x8000;
	s19 =	simm.s32 $0x1;
	s20 =	simm.s32 $0x2  }
0x5: {  	s21 =	simm.s32 $0x80;
	s22 =	simm.s32 $0x400;
	s24 =	simm.s32 $0x3  }
0x6: {  	s28 =	simm.s32 $0x10680;
	s29 =	simm.s32 $0x0;
	s3 =	sand.u32 $0x1, s2  }
0x7: {  	s2 =	simm.s32 $0x0;
	s30 =	sshll.u32 s9, $0x9;
	s4 =	sshll.u32 s3, $0x4  }
0x8: {  	s3 =	ssub.s32 $0x2, s3;
	[smem:$0x7FF] =	sst s2;
	s8 =	sor.u32 s9, s4  }
0x9: {  	s26 =	sshrl.u32 s3, $0x1;
	_ =	strace $0x80000047;
	s9 =	sshll.u32 s9, $0x7  }
0xa: {  	s5 =	sshll.u32 s8, $0xE;
	s17 =	ssub.s32 s3, s26;
	s12 =	sand.u32 $0x380, s9  }
0xb: {  	s31 =	sshll.u32 s8, $0x7;
	s26 =	simm.s32 $0x10200;
	s3 =	sadd.s32 s0, s5  }
0xc: {  	s0 =	sand.u32 $0x1000, s30;
	s17 =	smax.u32 s17, $0x1;
	s4 =	sadd.s32 $0x1000, s3  }
0xd: {  	s5 =	sadd.s32 $0x2000, s3;
	s6 =	sadd.s32 $0x3000, s3;
	s7 =	sadd.s32 s0, s7  }
0xe: {  	s0 =	sand.u32 $0xC00, s31;
	s8 =	sadd.s32 s12, s7;
	s9 =	sadd.s32 $0x80, s7  }
0xf: {  	s10 =	sadd.s32 $0x100, s7;
	s11 =	sadd.s32 $0x180, s7;
	s0 =	sor.u32 s12, s0  }
0x10: {  	s12 =	sadd.s32 $0x200, s7;
	s13 =	sadd.s32 $0x280, s7;
	s0 =	sshrl.u32 s0, $0x3  }
0x11: {  	v0 =	vimm.f32 $0.0e+00;
	s14 =	sadd.s32 $0x300, s7;
	s15 =	sadd.s32 $0x380, s7;
	s16 =	sadd.s32 s1, s0  }
.LBB2_1:
0x12: {  	[tilespmem:$0x10000] =	vst v0  }
0x13: {  	[tilespmem:$0x10010] =	vst v0  }
0x14: {  	[tilespmem:$0x10020] =	vst v0  }
0x15: {  	[tilespmem:$0x10030] =	vst v0  }
0x16: {  	[tilespmem:$0x10040] =	vst v0  }
0x17: {  	[tilespmem:$0x10050] =	vst v0  }
0x18: {  	[tilespmem:$0x10060] =	vst v0  }
0x19: {  	[tilespmem:$0x10070] =	vst v0  }
0x1a: {  	[tilespmem:$0x10080] =	vst v0  }
0x1b: {  	[tilespmem:$0x10090] =	vst v0  }
0x1c: {  	[tilespmem:$0x100A0] =	vst v0  }
0x1d: {  	[tilespmem:$0x100B0] =	vst v0  }
0x1e: {  	[tilespmem:$0x100C0] =	vst v0  }
0x1f: {  	[tilespmem:$0x100D0] =	vst v0  }
0x20: {  	[tilespmem:$0x100E0] =	vst v0  }
0x21: {  	[tilespmem:$0x100F0] =	vst v0  }
0x22: {  	[tilespmem:$0x10100] =	vst v0  }
0x23: {  	[tilespmem:$0x10110] =	vst v0  }
0x24: {  	[tilespmem:$0x10120] =	vst v0  }
0x25: {  	[tilespmem:$0x10130] =	vst v0  }
0x26: {  	[tilespmem:$0x10140] =	vst v0  }
0x27: {  	[tilespmem:$0x10150] =	vst v0  }
0x28: {  	[tilespmem:$0x10160] =	vst v0  }
0x29: {  	[tilespmem:$0x10170] =	vst v0  }
0x2a: {  	[tilespmem:$0x10180] =	vst v0  }
0x2b: {  	[tilespmem:$0x10190] =	vst v0  }
0x2c: {  	[tilespmem:$0x101A0] =	vst v0  }
0x2d: {  	[tilespmem:$0x101B0] =	vst v0  }
0x2e: {  	[tilespmem:$0x101C0] =	vst v0  }
0x2f: {  	[tilespmem:$0x101D0] =	vst v0  }
0x30: {  	[tilespmem:$0x101E0] =	vst v0  }
0x31: {  	[tilespmem:$0x101F0] =	vst v0  }
0x32: {  	[tilespmem:$0x10600] =	vst v0;
	p0 =	por $0x1, $0x1;
	s0 =	smov.u32 s4  }
0x33: {  	[tilespmem:s2], [sflag:$0x1] =	stream.linear.gather [hbm4b:s3+s2], $0x8000, $0x38;
	[tilespmem:$0x10900] =	vst v63  }
.LBB2_2:
0x34: {  	s30 =	simm.s32 $0x0  }
0x35: {  	[tilespmem:s18], [sflag:$0x2] =	stream.linear.gather [hbm4b:s0+s30], $0x8000, $0x38;
	[tilespmem:$0x10900] =	vst v63  }
0x36: {  	_ =	swait.ge [sflag:s19], $0x8000  }
0x37: {  	[sflag:s19] =	ssyncset.done $0x0  }
0x38: {  	s31 =	simm.s32 $0x0;
	s0 =	simm.s32 $0x0;
	[sflag:s19] =	ssyncadd.s32 $0xFFFF8000  }
.LBB2_3:
0x39: {  	s1 =	sshll.u32 s31, $0x2;
	s23 =	sand.u32 $0x7, s30  }
0x3a: {  	s1 =	sand.u32 $0xFFFFF000, s1;
	s23 =	sshll.u32 s23, $0x6  }
0x3b: {  	s1 =	sor.u32 s23, s1  }
0x3c: {  	s1 =	sshrl.u32 s1, $0x2  }
0x3d: {  	s1 =	sor.u32 $0x200, s1  }
0x3e: {  	v1 =	vmov s1;
	_ =	sdelay $0x3  }
0x3f: {  	s25 =	simm.s32 $0x0  }
0x40: {  	v2 =	vld.idx.msk [tilespmem:v1+s25+$0xFFFFFE00 ss:$0x1], $0xffff  }
0x41: {  	v4 =	vld.idx.msk [tilespmem:v1+s25+$0xFFFFFE80 ss:$0x1], $0xffff  }
0x42: {  	v5 =	vld.idx.msk [tilespmem:v1+s25+$0x0 ss:$0x1], $0xffff  }
0x43: {  	v9 =	vld.idx.msk [tilespmem:v1+s25+$0x80 ss:$0x1], $0xffff  }
0x44: {  	v15 =	vld.idx.msk [tilespmem:v1+s25+$0xFFFFFF00 ss:$0x1], $0xffff  }
0x45: {  	v8 =	vld.idx.msk [tilespmem:v1+s25+$0xFFFFFF80 ss:$0x1], $0xffff  }
0x46: {  	v12 =	vimm.f32 $0.0e+00;
	v7 =	vld.idx.msk [tilespmem:v1+s25+$0x100 ss:$0x1], $0xffff  }
0x47: {  	s23 =	simm.s32 $0x1000;
	v6 =	vld.idx.msk [tilespmem:v1+s25+$0x180 ss:$0x1], $0xffff;
	v10 =	vmul.f32 v2, v2;
	v11 =	vmul.f32 v4, v4;
	v2 =	vadd.f32 v2, v12  }
0x48: {  	v3 =	vld.idx.msk [tilespmem:v1+s23+$0xFFFFFE00 ss:$0x1], $0xffff;
	v14 =	vmul.f32 v5, v5;
	v16 =	vadd.f32 v4, v12;
	v17 =	vmul.f32 v9, v9  }
0x49: {  	v4 =	vld.idx.msk [tilespmem:v1+s23+$0xFFFFFE80 ss:$0x1], $0xffff;
	v20 =	vmul.f32 v15, v15;
	v19 =	vadd.f32 v15, v12;
	v10 =	vadd.f32 v10, v12  }
0x4a: {  	v18 =	vmul.f32 v8, v8;
	v11 =	vadd.f32 v11, v12;
	v13 =	vadd.f32 v5, v2;
	v5 =	vld.idx.msk [tilespmem:v1+s23+$0x0 ss:$0x1], $0xffff  }
0x4b: {  	v15 =	vimm.f32 $0.0e+00;
	v2 =	vld.idx.msk [tilespmem:v1+s23+$0x80 ss:$0x1], $0xffff;
	v10 =	vadd.f32 v14, v10;
	v14 =	vadd.f32 v9, v16  }
0x4c: {  	s1 =	sshll.u32 s0, $0x4;
	s25 =	simm.s32 $0x8000;
	v11 =	vadd.f32 v17, v11;
	v9 =	vld.idx.msk [tilespmem:v1+s23+$0xFFFFFF00 ss:$0x1], $0xffff;
	v16 =	vadd.f32 v20, v12;
	v17 =	vmul.f32 v7, v7  }
.LBB2_4:
0x4d: {  	p1 =	sne.s32 s25, $0x1C000;
	v12 =	vadd.f32 v8, v12;
	v8 =	vld.idx.msk [tilespmem:v1+s23+$0xFFFFFF80 ss:$0x1], $0xffff;
	v15 =	vadd.f32 v18, v15;
	v18 =	vmul.f32 v6, v6  }
0x4e: {  	v20 =	vmul.f32 v3, v3;
	v19 =	vadd.f32 v7, v19;
	v7 =	vld.idx.msk [tilespmem:v1+s23+$0x100 ss:$0x1], $0xffff;
	v16 =	vadd.f32 v17, v16  }
0x4f: {  	v17 =	vmul.f32 v4, v4;
	v12 =	vadd.f32 v6, v12;
	v6 =	vld.idx.msk [tilespmem:v1+s23+$0x180 ss:$0x1], $0xffff;
	s23 =	sshra.s32 s25, $0x2;
	v15 =	vadd.f32 v18, v15  }
.Ltmp0:
0x50: {  	v13 =	vadd.f32 v3, v13;
	v10 =	vadd.f32 v20, v10;
	v18 =	vmul.f32 v5, v5;
	v3 =	vld.idx.msk [tilespmem:v1+s23+$0xFFFFFE00 ss:$0x1], $0xffff;
	(pc) =	sbr.rel @p1 .LBB2_4-.Ltmp0, $4  }
0x51: {  	v14 =	vadd.f32 v4, v14;
	v11 =	vadd.f32 v17, v11;
	v17 =	vmul.f32 v2, v2;
	v4 =	vld.idx.msk [tilespmem:v1+s23+$0xFFFFFE80 ss:$0x1], $0xffff  }
0x52: {  	v13 =	vadd.f32 v5, v13;
	v20 =	vmul.f32 v9, v9;
	v10 =	vadd.f32 v18, v10;
	v5 =	vld.idx.msk [tilespmem:v1+s23+$0x0 ss:$0x1], $0xffff  }
0x53: {  	v14 =	vadd.f32 v2, v14;
	v18 =	vmul.f32 v8, v8;
	v11 =	vadd.f32 v17, v11;
	v2 =	vld.idx.msk [tilespmem:v1+s23+$0x80 ss:$0x1], $0xffff  }
0x54: {  	s25 =	sadd.s32 $0x4000, s25;
	v19 =	vadd.f32 v9, v19;
	v16 =	vadd.f32 v20, v16;
	v17 =	vmul.f32 v7, v7;
	v9 =	vld.idx.msk [tilespmem:v1+s23+$0xFFFFFF00 ss:$0x1], $0xffff  }
0x55: {  	_ =	sdelay $0x3  }
0x56: {  	v20 =	vld.idx.msk [tilespmem:v1+s23+$0xFFFFFF80 ss:$0x1], $0xffff  }
0x57: {  	v8 =	vadd.f32 v8, v12;
	v54 =	vld.idx.msk [tilespmem:v1+s23+$0x100 ss:$0x1], $0xffff  }
0x58: {  	v15 =	vadd.f32 v18, v15;
	v1 =	vld.idx.msk [tilespmem:v1+s23+$0x180 ss:$0x1], $0xffff  }
0x59: {  	v7 =	vadd.f32 v7, v19;
	v8 =	vadd.f32 v6, v8  }
0x5a: {  	v13 =	vadd.f32 v3, v13;
	v14 =	vadd.f32 v4, v14  }
0x5b: {  	v7 =	vadd.f32 v9, v7;
	v8 =	vadd.f32 v20, v8  }
0x5c: {  	v55 =	vmul.f32 v6, v6;
	v13 =	vadd.f32 v5, v13;
	v14 =	vadd.f32 v2, v14  }
0x5d: {  	v7 =	vadd.f32 v54, v7;
	v8 =	vadd.f32 v1, v8  }
0x5e: {  	v3 =	vmul.f32 v3, v3;
	v56 =	vld [tilespmem:s1+$0x10000];
	v16 =	vadd.f32 v17, v16;
	v6 =	vadd.f32 v55, v15  }
0x5f: {  	v57 =	vmul.f32 v4, v4;
	v13 =	vadd.f32 v14, v13;
	v7 =	vadd.f32 v8, v7  }
0x60: {  	v3 =	vadd.f32 v3, v10;
	v58 =	vmul.f32 v5, v5;
	v60 =	vmul.f32 v20, v20  }
0x61: {  	v4 =	vadd.f32 v57, v11;
	v59 =	vmul.f32 v9, v9;
	v7 =	vadd.f32 v7, v13  }
0x62: {  	v2 =	vmul.f32 v2, v2;
	v61 =	vmul.f32 v54, v54;
	v6 =	vadd.f32 v60, v6  }
0x63: {  	v1 =	vmul.f32 v1, v1;
	v8 =	vadd.f32 v59, v16;
	v7 =	vadd.f32 v56, v7  }
0x64: {  	v3 =	vadd.f32 v58, v3;
	v2 =	vadd.f32 v2, v4  }
0x65: {  	v1 =	vadd.f32 v1, v6;
	v62 =	vadd.f32 v61, v8;
	[tilespmem:s1+$0x10000] =	vst v7  }
0x66: {  	v63 =	vld [tilespmem:$0x10600]  }
0x67: {  	s0 =	sadd.s32 $0x1, s0;
	v2 =	vadd.f32 v2, v3;
	v1 =	vadd.f32 v1, v62  }
0x68: {  	p1 =	sne.s32 s0, $0x20  }
.Ltmp1:
0x69: {  	v1 =	vadd.f32 v1, v2;
	(pc) =	sbr.rel @p1 .LBB2_3-.Ltmp1, $3  }
0x6a: {  	_ = 	snop  }
0x6b: {  	v1 =	vadd.f32 v63, v1;
	_ =	sdelay $0x1  }
0x6c: {  	s31 =	sadd.s32 $0x80, s31;
	s30 =	sadd.s32 $0x1, s30;
	[tilespmem:$0x10600] =	vst v1  }
0x6d: {  	s0 =	simm.s32 @p0 $0x0  }
0x6e: {  	[tilespmem:s0], [sflag:$0x1] =	stream.linear.gather @p0 [hbm4b:s5+s0], $0x8000, $0x38;
	[tilespmem:$0x10900] =	vst v63  }
0x6f: {  	_ =	swait.ge [sflag:s20], $0x8000  }
0x70: {  	s30 =	simm.s32 $0x0;
	[sflag:s20] =	ssyncset.done $0x0  }
0x71: {  	s31 =	simm.s32 $0x0;
	s0 =	simm.s32 $0x0;
	[sflag:s20] =	ssyncadd.s32 $0xFFFF8000  }
.LBB2_7:
0x72: {  	s1 =	sshll.u32 s0, $0x2;
	s23 =	sand.u32 $0x7, s30  }
0x73: {  	s1 =	sand.u32 $0xFFFFF000, s1;
	s23 =	sshll.u32 s23, $0x6  }
0x74: {  	s1 =	sor.u32 s23, s1  }
0x75: {  	s1 =	sshrl.u32 s1, $0x2  }
0x76: {  	v1 =	vmov s1;
	_ =	sdelay $0x3  }
0x77: {  	s25 =	simm.s32 $0x0  }
0x78: {  	v2 =	vld.idx.msk [tilespmem:v1+s25+$0x8000 ss:$0x1], $0xffff  }
0x79: {  	v4 =	vld.idx.msk [tilespmem:v1+s25+$0x8080 ss:$0x1], $0xffff  }
0x7a: {  	v5 =	vld.idx.msk [tilespmem:v1+s25+$0x8200 ss:$0x1], $0xffff  }
0x7b: {  	v9 =	vld.idx.msk [tilespmem:v1+s25+$0x8280 ss:$0x1], $0xffff  }
0x7c: {  	v15 =	vld.idx.msk [tilespmem:v1+s25+$0x8100 ss:$0x1], $0xffff  }
0x7d: {  	v8 =	vld.idx.msk [tilespmem:v1+s25+$0x8180 ss:$0x1], $0xffff  }
0x7e: {  	v12 =	vimm.f32 $0.0e+00;
	v7 =	vld.idx.msk [tilespmem:v1+s25+$0x8300 ss:$0x1], $0xffff  }
0x7f: {  	s23 =	simm.s32 $0x1000;
	v6 =	vld.idx.msk [tilespmem:v1+s25+$0x8380 ss:$0x1], $0xffff;
	v10 =	vmul.f32 v2, v2;
	v11 =	vmul.f32 v4, v4;
	v2 =	vadd.f32 v2, v12  }
0x80: {  	v3 =	vld.idx.msk [tilespmem:v1+s23+$0x8000 ss:$0x1], $0xffff;
	v14 =	vmul.f32 v5, v5;
	v16 =	vadd.f32 v4, v12;
	v17 =	vmul.f32 v9, v9  }
0x81: {  	v4 =	vld.idx.msk [tilespmem:v1+s23+$0x8080 ss:$0x1], $0xffff;
	v20 =	vmul.f32 v15, v15;
	v19 =	vadd.f32 v15, v12;
	v10 =	vadd.f32 v10, v12  }
0x82: {  	v18 =	vmul.f32 v8, v8;
	v11 =	vadd.f32 v11, v12;
	v13 =	vadd.f32 v5, v2;
	v5 =	vld.idx.msk [tilespmem:v1+s23+$0x8200 ss:$0x1], $0xffff  }
0x83: {  	v15 =	vimm.f32 $0.0e+00;
	v2 =	vld.idx.msk [tilespmem:v1+s23+$0x8280 ss:$0x1], $0xffff;
	v10 =	vadd.f32 v14, v10;
	v14 =	vadd.f32 v9, v16  }
0x84: {  	s1 =	sshll.u32 s31, $0x4;
	s25 =	simm.s32 $0x8000;
	v11 =	vadd.f32 v17, v11;
	v9 =	vld.idx.msk [tilespmem:v1+s23+$0x8100 ss:$0x1], $0xffff;
	v16 =	vadd.f32 v20, v12;
	v17 =	vmul.f32 v7, v7  }
.LBB2_8:
0x85: {  	p1 =	sne.s32 s25, $0x1C000;
	v12 =	vadd.f32 v8, v12;
	v8 =	vld.idx.msk [tilespmem:v1+s23+$0x8180 ss:$0x1], $0xffff;
	v15 =	vadd.f32 v18, v15;
	v18 =	vmul.f32 v6, v6  }
0x86: {  	v20 =	vmul.f32 v3, v3;
	v19 =	vadd.f32 v7, v19;
	v7 =	vld.idx.msk [tilespmem:v1+s23+$0x8300 ss:$0x1], $0xffff;
	v16 =	vadd.f32 v17, v16  }
0x87: {  	v17 =	vmul.f32 v4, v4;
	v12 =	vadd.f32 v6, v12;
	v6 =	vld.idx.msk [tilespmem:v1+s23+$0x8380 ss:$0x1], $0xffff;
	s23 =	sshra.s32 s25, $0x2;
	v15 =	vadd.f32 v18, v15  }
.Ltmp2:
0x88: {  	v13 =	vadd.f32 v3, v13;
	v10 =	vadd.f32 v20, v10;
	v18 =	vmul.f32 v5, v5;
	v3 =	vld.idx.msk [tilespmem:v1+s23+$0x8000 ss:$0x1], $0xffff;
	(pc) =	sbr.rel @p1 .LBB2_8-.Ltmp2, $4  }
0x89: {  	v14 =	vadd.f32 v4, v14;
	v11 =	vadd.f32 v17, v11;
	v17 =	vmul.f32 v2, v2;
	v4 =	vld.idx.msk [tilespmem:v1+s23+$0x8080 ss:$0x1], $0xffff  }
0x8a: {  	v13 =	vadd.f32 v5, v13;
	v20 =	vmul.f32 v9, v9;
	v10 =	vadd.f32 v18, v10;
	v5 =	vld.idx.msk [tilespmem:v1+s23+$0x8200 ss:$0x1], $0xffff  }
0x8b: {  	v14 =	vadd.f32 v2, v14;
	v18 =	vmul.f32 v8, v8;
	v11 =	vadd.f32 v17, v11;
	v2 =	vld.idx.msk [tilespmem:v1+s23+$0x8280 ss:$0x1], $0xffff  }
0x8c: {  	s25 =	sadd.s32 $0x4000, s25;
	v19 =	vadd.f32 v9, v19;
	v16 =	vadd.f32 v20, v16;
	v17 =	vmul.f32 v7, v7;
	v9 =	vld.idx.msk [tilespmem:v1+s23+$0x8100 ss:$0x1], $0xffff  }
0x8d: {  	_ =	sdelay $0x3  }
0x8e: {  	v20 =	vld.idx.msk [tilespmem:v1+s23+$0x8180 ss:$0x1], $0xffff  }
0x8f: {  	v8 =	vadd.f32 v8, v12;
	v54 =	vld.idx.msk [tilespmem:v1+s23+$0x8300 ss:$0x1], $0xffff  }
0x90: {  	v15 =	vadd.f32 v18, v15;
	v1 =	vld.idx.msk [tilespmem:v1+s23+$0x8380 ss:$0x1], $0xffff  }
0x91: {  	v7 =	vadd.f32 v7, v19;
	v8 =	vadd.f32 v6, v8  }
0x92: {  	v13 =	vadd.f32 v3, v13;
	v14 =	vadd.f32 v4, v14  }
0x93: {  	v7 =	vadd.f32 v9, v7;
	v8 =	vadd.f32 v20, v8  }
0x94: {  	v55 =	vmul.f32 v6, v6;
	v13 =	vadd.f32 v5, v13;
	v14 =	vadd.f32 v2, v14  }
0x95: {  	v7 =	vadd.f32 v54, v7;
	v8 =	vadd.f32 v1, v8  }
0x96: {  	v3 =	vmul.f32 v3, v3;
	v56 =	vld [tilespmem:s1+$0x10000];
	v16 =	vadd.f32 v17, v16;
	v6 =	vadd.f32 v55, v15  }
0x97: {  	v57 =	vmul.f32 v4, v4;
	v13 =	vadd.f32 v14, v13;
	v7 =	vadd.f32 v8, v7  }
0x98: {  	v3 =	vadd.f32 v3, v10;
	v58 =	vmul.f32 v5, v5;
	v60 =	vmul.f32 v20, v20  }
0x99: {  	v4 =	vadd.f32 v57, v11;
	v59 =	vmul.f32 v9, v9;
	v7 =	vadd.f32 v7, v13  }
0x9a: {  	v2 =	vmul.f32 v2, v2;
	v61 =	vmul.f32 v54, v54;
	v6 =	vadd.f32 v60, v6  }
0x9b: {  	v1 =	vmul.f32 v1, v1;
	v8 =	vadd.f32 v59, v16;
	v7 =	vadd.f32 v56, v7  }
0x9c: {  	v3 =	vadd.f32 v58, v3;
	v2 =	vadd.f32 v2, v4  }
0x9d: {  	v1 =	vadd.f32 v1, v6;
	v62 =	vadd.f32 v61, v8;
	[tilespmem:s1+$0x10000] =	vst v7  }
0x9e: {  	v63 =	vld [tilespmem:$0x10600]  }
0x9f: {  	s31 =	sadd.s32 $0x1, s31;
	v2 =	vadd.f32 v2, v3;
	v1 =	vadd.f32 v1, v62  }
0xa0: {  	p1 =	sne.s32 s31, $0x20  }
.Ltmp3:
0xa1: {  	v1 =	vadd.f32 v1, v2;
	(pc) =	sbr.rel @p1 .LBB2_7-.Ltmp3, $3  }
0xa2: {  	_ = 	snop  }
0xa3: {  	v1 =	vadd.f32 v63, v1;
	_ =	sdelay $0x1  }
0xa4: {  	s0 =	sadd.s32 $0x80, s0;
	s30 =	sadd.s32 $0x1, s30;
	[tilespmem:$0x10600] =	vst v1  }
.Ltmp4:
0xa5: {  	(pc) =	sbr.rel @!p0 .LBB2_12-.Ltmp4, $1  }
0xa6: {  	_ =	sdelay $0x3  }
.Ltmp5:
0xa7: {  	(pc) =	sbr.rel .LBB2_2-.Ltmp5, $2  }
0xa8: {  	_ =	sdelay $0x2  }
0xa9: {  	p0 =	por $0x0, $0x0;
	s0 =	smov.u32 s6  }
.LBB2_12:
0xaa: {  	s0 =	simm.s32 $0x10000  }
0xab: {  	[spmem:s8] =	stream.strided.scatter [tilespmem:s0], [sflag:$0x3], $0x200, s22, s21, $0x38;
	[tilespmem:$0x10900] =	vst v63  }
0xac: {  	_ =	swait.ge [sflag:s24], $0x200  }
0xad: {  	[sflag:s24] =	ssyncset.done $0x0  }
0xae: {  	[sflag:s24] =	ssyncadd.s32 $0xFFFFFE00  }
0xaf: {  	s31 =	simm.s32 $0x10400;
	[bflag:$0x0] =	sbarrier.arrive $0xFFFF  }
0xb0: {  	[tilespmem:s31], [sflag:$0x3] =	stream.strided.gather [spmem:s7], $0x200, s22, s21, $0x38;
	[tilespmem:$0x10900] =	vst v63  }
0xb1: {  	_ =	swait.ge [sflag:s24], $0x200  }
0xb2: {  	[sflag:s24] =	ssyncset.done $0x0  }
0xb3: {  	[sflag:s24] =	ssyncadd.s32 $0xFFFFFE00  }
0xb4: {  	[tilespmem:s26], [sflag:$0x3] =	stream.strided.gather [spmem:s9], $0x200, s22, s21, $0x38;
	[tilespmem:$0x10900] =	vst v63  }
0xb5: {  	_ =	swait.ge [sflag:s24], $0x200  }
0xb6: {  	[sflag:s24] =	ssyncset.done $0x0  }
0xb7: {  	s0 =	simm.s32 $0x0;
	[sflag:s24] =	ssyncadd.s32 $0xFFFFFE00  }
0xb8: {  	s1 =	simm.s32 $0x40;
	v1 =	vld [tilespmem:s0+$0x10200]  }
.LBB2_13:
0xb9: {  	p0 =	sne.s32 s1, $0x7C0;
	v2 =	vld [tilespmem:s0+$0x10400];
	_ =	sdelay $0x2  }
.Ltmp6:
0xba: {  	(pc) =	sbr.rel @p0 .LBB2_13-.Ltmp6, $4  }
0xbb: {  	_ = 	snop  }
0xbc: {  	v2 =	vadd.f32 v1, v2  }
0xbd: {  	s23 =	sshra.s32 s1, $0x2  }
0xbe: {  	s1 =	sadd.s32 $0x40, s1;
	v1 =	vld [tilespmem:s23+$0x10200];
	[tilespmem:s0+$0x10400] =	vst v2;
	s0 =	smov.u32 s23  }
0xbf: {  	v2 =	vld [tilespmem:s0+$0x10400];
	_ =	sdelay $0x4  }
0xc0: {  	v1 =	vadd.f32 v1, v2;
	_ =	sdelay $0x1  }
0xc1: {  	[tilespmem:s0+$0x10400] =	vst v1  }
0xc2: {  	[tilespmem:s26], [sflag:$0x3] =	stream.strided.gather [spmem:s10], $0x200, s22, s21, $0x38;
	[tilespmem:$0x10900] =	vst v63  }
0xc3: {  	_ =	swait.ge [sflag:s24], $0x200  }
0xc4: {  	[sflag:s24] =	ssyncset.done $0x0  }
0xc5: {  	s0 =	simm.s32 $0x0;
	[sflag:s24] =	ssyncadd.s32 $0xFFFFFE00  }
0xc6: {  	s1 =	simm.s32 $0x40;
	v1 =	vld [tilespmem:s0+$0x10200]  }
.LBB2_15:
0xc7: {  	p0 =	sne.s32 s1, $0x7C0;
	v2 =	vld [tilespmem:s0+$0x10400];
	_ =	sdelay $0x2  }
.Ltmp7:
0xc8: {  	(pc) =	sbr.rel @p0 .LBB2_15-.Ltmp7, $4  }
0xc9: {  	_ = 	snop  }
0xca: {  	v2 =	vadd.f32 v1, v2  }
0xcb: {  	s23 =	sshra.s32 s1, $0x2  }
0xcc: {  	s1 =	sadd.s32 $0x40, s1;
	v1 =	vld [tilespmem:s23+$0x10200];
	[tilespmem:s0+$0x10400] =	vst v2;
	s0 =	smov.u32 s23  }
0xcd: {  	v2 =	vld [tilespmem:s0+$0x10400];
	_ =	sdelay $0x4  }
0xce: {  	v1 =	vadd.f32 v1, v2;
	_ =	sdelay $0x1  }
0xcf: {  	[tilespmem:s0+$0x10400] =	vst v1  }
0xd0: {  	[tilespmem:s26], [sflag:$0x3] =	stream.strided.gather [spmem:s11], $0x200, s22, s21, $0x38;
	[tilespmem:$0x10900] =	vst v63  }
0xd1: {  	_ =	swait.ge [sflag:s24], $0x200  }
0xd2: {  	[sflag:s24] =	ssyncset.done $0x0  }
0xd3: {  	s0 =	simm.s32 $0x0;
	[sflag:s24] =	ssyncadd.s32 $0xFFFFFE00  }
0xd4: {  	s1 =	simm.s32 $0x40;
	v1 =	vld [tilespmem:s0+$0x10200]  }
.LBB2_17:
0xd5: {  	p0 =	sne.s32 s1, $0x7C0;
	v2 =	vld [tilespmem:s0+$0x10400];
	_ =	sdelay $0x2  }
.Ltmp8:
0xd6: {  	(pc) =	sbr.rel @p0 .LBB2_17-.Ltmp8, $4  }
0xd7: {  	_ = 	snop  }
0xd8: {  	v2 =	vadd.f32 v1, v2  }
0xd9: {  	s23 =	sshra.s32 s1, $0x2  }
0xda: {  	s1 =	sadd.s32 $0x40, s1;
	v1 =	vld [tilespmem:s23+$0x10200];
	[tilespmem:s0+$0x10400] =	vst v2;
	s0 =	smov.u32 s23  }
0xdb: {  	v2 =	vld [tilespmem:s0+$0x10400];
	_ =	sdelay $0x4  }
0xdc: {  	v1 =	vadd.f32 v1, v2;
	_ =	sdelay $0x1  }
0xdd: {  	[tilespmem:s0+$0x10400] =	vst v1  }
0xde: {  	[tilespmem:s26], [sflag:$0x3] =	stream.strided.gather [spmem:s12], $0x200, s22, s21, $0x38;
	[tilespmem:$0x10900] =	vst v63  }
0xdf: {  	_ =	swait.ge [sflag:s24], $0x200  }
0xe0: {  	[sflag:s24] =	ssyncset.done $0x0  }
0xe1: {  	s0 =	simm.s32 $0x0;
	[sflag:s24] =	ssyncadd.s32 $0xFFFFFE00  }
0xe2: {  	s1 =	simm.s32 $0x40;
	v1 =	vld [tilespmem:s0+$0x10200]  }
.LBB2_19:
0xe3: {  	p0 =	sne.s32 s1, $0x7C0;
	v2 =	vld [tilespmem:s0+$0x10400];
	_ =	sdelay $0x2  }
.Ltmp9:
0xe4: {  	(pc) =	sbr.rel @p0 .LBB2_19-.Ltmp9, $4  }
0xe5: {  	_ = 	snop  }
0xe6: {  	v2 =	vadd.f32 v1, v2  }
0xe7: {  	s23 =	sshra.s32 s1, $0x2  }
0xe8: {  	s1 =	sadd.s32 $0x40, s1;
	v1 =	vld [tilespmem:s23+$0x10200];
	[tilespmem:s0+$0x10400] =	vst v2;
	s0 =	smov.u32 s23  }
0xe9: {  	v2 =	vld [tilespmem:s0+$0x10400];
	_ =	sdelay $0x4  }
0xea: {  	v1 =	vadd.f32 v1, v2;
	_ =	sdelay $0x1  }
0xeb: {  	[tilespmem:s0+$0x10400] =	vst v1  }
0xec: {  	[tilespmem:s26], [sflag:$0x3] =	stream.strided.gather [spmem:s13], $0x200, s22, s21, $0x38;
	[tilespmem:$0x10900] =	vst v63  }
0xed: {  	_ =	swait.ge [sflag:s24], $0x200  }
0xee: {  	[sflag:s24] =	ssyncset.done $0x0  }
0xef: {  	s0 =	simm.s32 $0x0;
	[sflag:s24] =	ssyncadd.s32 $0xFFFFFE00  }
0xf0: {  	s1 =	simm.s32 $0x40;
	v1 =	vld [tilespmem:s0+$0x10200]  }
.LBB2_21:
0xf1: {  	p0 =	sne.s32 s1, $0x7C0;
	v2 =	vld [tilespmem:s0+$0x10400];
	_ =	sdelay $0x2  }
.Ltmp10:
0xf2: {  	(pc) =	sbr.rel @p0 .LBB2_21-.Ltmp10, $4  }
0xf3: {  	_ = 	snop  }
0xf4: {  	v2 =	vadd.f32 v1, v2  }
0xf5: {  	s23 =	sshra.s32 s1, $0x2  }
0xf6: {  	s1 =	sadd.s32 $0x40, s1;
	v1 =	vld [tilespmem:s23+$0x10200];
	[tilespmem:s0+$0x10400] =	vst v2;
	s0 =	smov.u32 s23  }
0xf7: {  	v2 =	vld [tilespmem:s0+$0x10400];
	_ =	sdelay $0x4  }
0xf8: {  	v1 =	vadd.f32 v1, v2;
	_ =	sdelay $0x1  }
0xf9: {  	[tilespmem:s0+$0x10400] =	vst v1  }
0xfa: {  	[tilespmem:s26], [sflag:$0x3] =	stream.strided.gather [spmem:s14], $0x200, s22, s21, $0x38;
	[tilespmem:$0x10900] =	vst v63  }
0xfb: {  	_ =	swait.ge [sflag:s24], $0x200  }
0xfc: {  	[sflag:s24] =	ssyncset.done $0x0  }
0xfd: {  	s0 =	simm.s32 $0x0;
	[sflag:s24] =	ssyncadd.s32 $0xFFFFFE00  }
0xfe: {  	s1 =	simm.s32 $0x40;
	v1 =	vld [tilespmem:s0+$0x10200]  }
.LBB2_23:
0xff: {  	p0 =	sne.s32 s1, $0x7C0;
	v2 =	vld [tilespmem:s0+$0x10400];
	_ =	sdelay $0x2  }
.Ltmp11:
0x100: {  	(pc) =	sbr.rel @p0 .LBB2_23-.Ltmp11, $4  }
0x101: {  	_ = 	snop  }
0x102: {  	v2 =	vadd.f32 v1, v2  }
0x103: {  	s23 =	sshra.s32 s1, $0x2  }
0x104: {  	s1 =	sadd.s32 $0x40, s1;
	v1 =	vld [tilespmem:s23+$0x10200];
	[tilespmem:s0+$0x10400] =	vst v2;
	s0 =	smov.u32 s23  }
0x105: {  	v2 =	vld [tilespmem:s0+$0x10400];
	_ =	sdelay $0x4  }
0x106: {  	v1 =	vadd.f32 v1, v2;
	_ =	sdelay $0x1  }
0x107: {  	[tilespmem:s0+$0x10400] =	vst v1  }
0x108: {  	[tilespmem:s26], [sflag:$0x3] =	stream.strided.gather [spmem:s15], $0x200, s22, s21, $0x38;
	[tilespmem:$0x10900] =	vst v63  }
0x109: {  	_ =	swait.ge [sflag:s24], $0x200  }
0x10a: {  	[sflag:s24] =	ssyncset.done $0x0  }
0x10b: {  	s0 =	simm.s32 $0x0;
	[sflag:s24] =	ssyncadd.s32 $0xFFFFFE00  }
0x10c: {  	s23 =	simm.s32 $0x40;
	s1 =	simm.s32 $0x0;
	v1 =	vld [tilespmem:s0+$0x10200]  }
.LBB2_25:
0x10d: {  	p0 =	sne.s32 s23, $0x7C0;
	v2 =	vld [tilespmem:s1+$0x10400];
	_ =	sdelay $0x2  }
.Ltmp12:
0x10e: {  	(pc) =	sbr.rel @p0 .LBB2_25-.Ltmp12, $4  }
0x10f: {  	_ = 	snop  }
0x110: {  	v2 =	vadd.f32 v1, v2  }
0x111: {  	s25 =	sshra.s32 s23, $0x2  }
0x112: {  	s23 =	sadd.s32 $0x40, s23;
	v1 =	vld [tilespmem:s25+$0x10200];
	[tilespmem:s1+$0x10400] =	vst v2;
	s1 =	smov.u32 s25  }
0x113: {  	v2 =	vld [tilespmem:s1+$0x10400];
	_ =	sdelay $0x4  }
0x114: {  	v1 =	vadd.f32 v1, v2;
	_ =	sdelay $0x1  }
0x115: {  	[tilespmem:s1+$0x10400] =	vst v1  }
0x116: {  	v2 =	vld [tilespmem:s0+$0x10000]  }
0x117: {  	v1 =	vimm.f32 $0.0e+00;
	s1 =	simm.s32 $0x40;
	v3 =	vld [tilespmem:s0+$0x10400]  }
.LBB2_27:
0x118: {  	_ = 	snop  }
0x119: {  	p0 =	sne.s32 s1, $0x7C0  }
.Ltmp13:
0x11a: {  	_ = 	snop;
	(pc) =	sbr.rel @p0 .LBB2_27-.Ltmp13, $4  }
0x11b: {  	_ = 	snop  }
0x11c: {  	s0 =	sshra.s32 s1, $0x2;
	v4 =	vmul.f32 v3, v2  }
0x11d: {  	v2 =	vld [tilespmem:s0+$0x10000]  }
0x11e: {  	s1 =	sadd.s32 $0x40, s1;
	v3 =	vld [tilespmem:s0+$0x10400];
	v1 =	vadd.f32 v4, v1  }
0x11f: {  	_ =	sdelay $0x3  }
0x120: {  	v2 =	vmul.f32 v3, v2  }
0x121: {  	v3 =	vld [tilespmem:$0x10600]  }
0x122: {  	v1 =	vadd.f32 v2, v1;
	_ =	sdelay $0x1  }
0x123: {  	v1 =	vmul.f32 $-4.882812500e-04, v1;
	_ =	sdelay $0x1  }
0x124: {  	s29 =	sadd.s32 $0x1, s29;
	v1 =	vadd.f32 v1, v3  }
0x125: {  	p0 =	sne.s32 s29, s17  }
.Ltmp14:
0x126: {  	[tilespmem:$0x10680] =	vst v1;
	(pc) =	sbr.rel @p0 .LBB2_1-.Ltmp14, $4  }
0x127: {  	[hbm4b:s16+s2] =	stream.linear.scatter [tilespmem:s28], [sflag:$0x3], $0x80, $0x38;
	[tilespmem:$0x10900] =	vst v63  }
0x128: {  	_ =	swait.ge [sflag:s24], $0x80  }
0x129: {  	[sflag:s24] =	ssyncset.done $0x0  }
0x12a: {  	[sflag:s24] =	ssyncadd.s32 $0xFFFFFF80  }
0x12b: {  	_ =	sfence.sel $0x180000  }
0x12c: {  	[bflag:$0x0] =	sbarrier.arrive $0xFFFF  }
0x12d: {  	_ =	strace $0x90000047  }
0x12e: {  	s0 =	stileid.u32;
	[bflag:$0x2] =	sbarrier.arrive $0xFFFF  }
0x12f: {  	p0 =	sne.s32 s0, $0x0;
	s0 =	rddreg [dreg:$0x3]  }
0x130: {  	s0 =	sadd.s32 @!p0 $0x100000, s0  }
0x131: {  	[sflag:s0] =	ssyncadd.tile.s32 @!p0 $0x1;
	_ =	shalt  }
.Lfunc_end2:
_tile_overlayer_lowered:
.L_overlay_start_2:
0x132: {  	(tag) =	ssettag $0x2  }
0x133: {  	s0 =	rddreg [dreg:$0x0];
	s2 =	stileid.u32  }
0x134: {  	s1 =	rddreg [dreg:$0x1];
	p0 =	sne.s32 s2, $0x0  }
0x135: {  	s3 =	rddreg [dreg:$0x2];
	[bflag:$0x3] =	sbarrier.arrive $0xFFFF;
	s2 =	simm.s32 @!p0 $0x1C03  }
0x136: {  	[timem:s3], [sflag:s2] =	dma.local @!p0 [hbm:s0], s1  }
0x137: {  	s0 =	simm.s32 @!p0 $0x3  }
0x138: {  	_ =	swait.ge @!p0 [sflag:s0], s1  }
0x139: {  	s1 =	ssub.s32 @!p0 $0x0, s1;
	[sflag:s0] =	ssyncset.done @!p0 $0x0  }
0x13a: {  	[sflag:s0] =	ssyncadd.s32 @!p0 s1  }
0x13b: {  	[bflag:$0x3] =	sbarrier.arrive $0xFFFF  }
0x13c: {  	_ =	shalt  }

</sc_bundles>
